<compile_context>
chip_gen: v7x
topology: tpu7x:2x2x1
jax: 0.10.2.dev20260603
libtpu: 0.0.44.dev20260713+nightly
codegen_flags: <defaults>
</compile_context>

<pallas_src>
import jax
import jax.numpy as jnp
from jax import lax
from jax.experimental import pallas as pl
from jax.experimental.pallas import tpu as pltpu
from jax.experimental.pallas import tpu_sc as plsc

N = 10000
E = 160000
D_IN = 256
D_OUT = 256
D_H = 128
D_P = 64

NC = 2
NS = 16
DH = D_IN // NC
EPT = 10240
CHUNK = 64
NCHUNK = EPT // CHUNK
ROWS_T = 10240 // NS
NPAD = 10240
CPT = NPAD // NS


U = 5
NITER = NCHUNK // U


def _sc_body(x2, src, dst, z2, z1, agg_out, cnt_out, *scr):
    sv = scr[0:U]
    dv = scr[U:2 * U]
    rv = scr[2 * U:3 * U]
    ones_v, acc_sh, cnt_sh, sem_src, sem_dst, sem_g, sem_s = scr[3 * U:]
    cid = lax.axis_index("c")
    sid = lax.axis_index("s")

    def src_copy(t, u):
        base = sid * EPT + (t * U + u) * CHUNK
        return pltpu.make_async_copy(src.at[pl.ds(base, CHUNK)], sv[u],
                                     sem_src.at[u])

    def dst_copy(t, u):
        base = sid * EPT + (t * U + u) * CHUNK
        return pltpu.make_async_copy(dst.at[pl.ds(base, CHUNK)], dv[u],
                                     sem_dst.at[u])

    for u in range(U):
        src_copy(0, u).start()

    pltpu.sync_copy(z2, acc_sh.at[pl.ds(sid * ROWS_T, ROWS_T)])

    @pl.when(cid == 0)
    def _():
        pltpu.sync_copy(z1, cnt_sh.at[pl.ds(sid * CPT, CPT)])

    for j in range(CHUNK // 16):
        ones_v[pl.ds(j * 16, 16)] = jnp.ones((16,), jnp.float32)

    plsc.subcore_barrier()

    def step(t, _):
        for u in range(U):
            @pl.when(t > 0)
            def _():
                pltpu.make_async_copy(rv[u], acc_sh.at[dv[u]],
                                      sem_s.at[u]).wait()

                @pl.when(cid == 0)
                def _():
                    pltpu.make_async_copy(ones_v, cnt_sh.at[dv[u]],
                                          sem_s.at[u]).wait()

            dst_copy(t, u).start()
            src_copy(t, u).wait()
            for j in range(CHUNK // 16):
                v = sv[u][pl.ds(j * 16, 16)]
                sv[u][pl.ds(j * 16, 16)] = v * 2 + cid
            pltpu.async_copy(x2.at[sv[u]], rv[u], sem_g.at[u])

        for u in range(U):
            pltpu.make_async_copy(x2.at[sv[u]], rv[u], sem_g.at[u]).wait()

            @pl.when(t + 1 < NITER)
            def _():
                src_copy(t + 1, u).start()

            dst_copy(t, u).wait()
            pltpu.async_copy(rv[u], acc_sh.at[dv[u]], sem_s.at[u], add=True)

            @pl.when(cid == 0)
            def _():
                pltpu.async_copy(ones_v, cnt_sh.at[dv[u]], sem_s.at[u],
                                 add=True)

        return _

    lax.fori_loop(0, NITER, step, None)

    for u in range(U):
        pltpu.make_async_copy(rv[u], acc_sh.at[dv[u]], sem_s.at[u]).wait()

        @pl.when(cid == 0)
        def _():
            pltpu.make_async_copy(ones_v, cnt_sh.at[dv[u]], sem_s.at[u]).wait()

    plsc.subcore_barrier()

    pltpu.sync_copy(acc_sh.at[pl.ds(sid * ROWS_T, ROWS_T)],
                    agg_out.at[cid, pl.ds(sid * ROWS_T, ROWS_T)])

    @pl.when(cid == 0)
    def _():
        pltpu.sync_copy(cnt_sh.at[pl.ds(sid * CPT, CPT)],
                        cnt_out.at[pl.ds(sid * CPT, CPT)])


def _sc_segment_sum(x2, src, dst):
    z2 = jnp.zeros((ROWS_T, DH), jnp.float32)
    z1 = jnp.zeros((CPT,), jnp.float32)
    mesh = plsc.VectorSubcoreMesh(core_axis_name="c", subcore_axis_name="s")
    k = pl.kernel(
        _sc_body,
        out_type=(jax.ShapeDtypeStruct((NC, NPAD, DH), jnp.float32),
                  jax.ShapeDtypeStruct((NPAD,), jnp.float32)),
        mesh=mesh,
        scratch_types=(
            [pltpu.VMEM((CHUNK,), jnp.int32) for _ in range(U)]
            + [pltpu.VMEM((CHUNK,), jnp.int32) for _ in range(U)]
            + [pltpu.VMEM((CHUNK, DH), jnp.float32) for _ in range(U)]
            + [
            pltpu.VMEM((CHUNK,), jnp.float32),
            pltpu.VMEM_SHARED((NPAD, DH), jnp.float32),
            pltpu.VMEM_SHARED((NPAD,), jnp.float32),
            pltpu.SemaphoreType.DMA((U,)),
            pltpu.SemaphoreType.DMA((U,)),
            pltpu.SemaphoreType.DMA((U,)),
            pltpu.SemaphoreType.DMA((U,)),
        ]),
    )
    return k(x2, src, dst, z2, z1)


ROW_BLK = 1000


def _root_body(x_ref, wr_ref, r_ref):
    dims = (((1,), (1,)), ((), ()))
    r_ref[...] = lax.dot_general(x_ref[...], wr_ref[...], dims,
                                 preferred_element_type=jnp.float32)


def _dense_body(r_ref, a_ref, cnt_ref, wn0_ref, wn1_ref,
                b_ref, gam_ref, bet_ref, wg1_ref, bg1_ref, wg2_ref, bg2_ref,
                wp_ref, bp_ref, g_ref, xp_ref):
    inv = 1.0 / jnp.maximum(cnt_ref[...], 1.0)
    m0 = a_ref[0] * inv
    m1 = a_ref[1] * inv
    dims = (((1,), (1,)), ((), ()))
    h = (lax.dot_general(m0, wn0_ref[...], dims, preferred_element_type=jnp.float32)
         + lax.dot_general(m1, wn1_ref[...], dims, preferred_element_type=jnp.float32)
         + r_ref[...]
         + b_ref[...])
    h = jnp.maximum(h, 0.0)
    mu = jnp.mean(h, axis=-1, keepdims=True)
    hc = h - mu
    var = jnp.mean(hc * hc, axis=-1, keepdims=True)
    h = hc * lax.rsqrt(var + 1e-5) * gam_ref[...] + bet_ref[...]
    hg = jnp.maximum(
        lax.dot_general(h, wg1_ref[...], dims, preferred_element_type=jnp.float32)
        + bg1_ref[...], 0.0)
    g_ref[...] = (lax.dot_general(hg, wg2_ref[...], dims,
                                  preferred_element_type=jnp.float32)
                  + bg2_ref[...])
    xp_ref[...] = jnp.maximum(
        lax.dot_general(h, wp_ref[...], dims, preferred_element_type=jnp.float32)
        + bp_ref[...], 0.0)


def _finish_body(g_ref, xp_ref, out_ref):
    g = g_ref[...]
    m = jnp.max(g, axis=0, keepdims=True)
    e = jnp.exp(g - m)
    s = jnp.sum(e, axis=0, keepdims=True)
    o = (e / s) * xp_ref[...]
    nrm = jnp.sqrt(jnp.sum(o * o, axis=1, keepdims=True))
    out_ref[...] = o / jnp.maximum(nrm, 1e-12)


def kernel(x, edge_index, W_neigh, W_root, b_sage, gamma, beta,
           Wg1, bg1, Wg2, bg2, Wp, bp):
    src = edge_index[0].astype(jnp.int32)
    dst = edge_index[1].astype(jnp.int32)
    x2 = x.reshape(2 * N, DH)

    npe = EPT - E // NS
    pad_s = (jnp.arange(npe, dtype=jnp.int32)[None, :] * 41
             + jnp.arange(NS, dtype=jnp.int32)[:, None] * 13) % N
    pad_d = (N + jnp.arange(npe, dtype=jnp.int32)[None, :]
             + jnp.zeros((NS, 1), jnp.int32))
    src_p = jnp.concatenate([src.reshape(NS, -1), pad_s], axis=1).reshape(-1)
    dst_p = jnp.concatenate([dst.reshape(NS, -1), pad_d], axis=1).reshape(-1)

    grid = N // ROW_BLK
    row = lambda i: (i, 0)
    full = lambda i: (0, 0)

    r = pl.pallas_call(
        _root_body,
        grid=(grid,),
        in_specs=[
            pl.BlockSpec((ROW_BLK, D_IN), row),
            pl.BlockSpec((D_OUT, D_IN), full),
        ],
        out_specs=pl.BlockSpec((ROW_BLK, D_OUT), row),
        out_shape=jax.ShapeDtypeStruct((N, D_OUT), jnp.float32),
    )(x, W_root)

    agg, cnt = _sc_segment_sum(x2, src_p, dst_p)

    g, xp = pl.pallas_call(
        _dense_body,
        grid=(grid,),
        in_specs=[
            pl.BlockSpec((ROW_BLK, D_OUT), row),
            pl.BlockSpec((NC, ROW_BLK, DH), lambda i: (0, i, 0)),
            pl.BlockSpec((ROW_BLK, 1), row),
            pl.BlockSpec((D_OUT, DH), full),
            pl.BlockSpec((D_OUT, DH), full),
            pl.BlockSpec((1, D_OUT), full),
            pl.BlockSpec((1, D_OUT), full),
            pl.BlockSpec((1, D_OUT), full),
            pl.BlockSpec((D_H, D_OUT), full),
            pl.BlockSpec((1, D_H), full),
            pl.BlockSpec((D_P, D_H), full),
            pl.BlockSpec((1, D_P), full),
            pl.BlockSpec((D_P, D_OUT), full),
            pl.BlockSpec((1, D_P), full),
        ],
        out_specs=[
            pl.BlockSpec((ROW_BLK, D_P), row),
            pl.BlockSpec((ROW_BLK, D_P), row),
        ],
        out_shape=[
            jax.ShapeDtypeStruct((N, D_P), jnp.float32),
            jax.ShapeDtypeStruct((N, D_P), jnp.float32),
        ],
    )(r, agg, cnt.reshape(NPAD, 1),
      W_neigh[:, :DH], W_neigh[:, DH:],
      b_sage.reshape(1, -1), gamma.reshape(1, -1), beta.reshape(1, -1),
      Wg1, bg1.reshape(1, -1), Wg2, bg2.reshape(1, -1),
      Wp, bp.reshape(1, -1))

    out = pl.pallas_call(
        _finish_body,
        out_shape=jax.ShapeDtypeStruct((N, D_P), jnp.float32),
    )(g, xp)
    return out

# --- scband reference (transcript-rebuilt; emitter-appended) ---
"""Pipeline reference for scband-tmsurv-7430293422687 (READ-ONLY COPY).

The authoritative reference and input builder live on the scoring server;
editing this copy changes nothing except your own understanding.
"""

import jax, jax.numpy as jnp
import numpy as np

N = 10000
E = 160000
D_IN = 256
D_OUT = 256
D_H = 128
D_P = 64


def setup_inputs(seed: int = 0) -> dict:
    key = jax.random.key(seed)
    ks = jax.random.split(key, 16)
    x = jax.random.normal(ks[0], (N, D_IN), dtype=jnp.float32)
    edge_index = jax.random.randint(ks[1], (2, E), 0, N, dtype=jnp.int64)
    # SAGEConv params (lin_l applied to aggregated neighbors, lin_r to root)
    W_neigh = jax.random.normal(ks[2], (D_OUT, D_IN), dtype=jnp.float32) * (1.0 / np.sqrt(D_IN))
    W_root = jax.random.normal(ks[3], (D_OUT, D_IN), dtype=jnp.float32) * (1.0 / np.sqrt(D_IN))
    b_sage = jnp.zeros((D_OUT,), dtype=jnp.float32)
    # LayerNorm params
    gamma = jnp.ones((D_OUT,), dtype=jnp.float32)
    beta = jnp.zeros((D_OUT,), dtype=jnp.float32)
    # gate_nn: Linear(256->128) -> ReLU -> Linear(128->64)
    Wg1 = jax.random.normal(ks[4], (D_H, D_OUT), dtype=jnp.float32) * (1.0 / np.sqrt(D_OUT))
    bg1 = jnp.zeros((D_H,), dtype=jnp.float32)
    Wg2 = jax.random.normal(ks[5], (D_P, D_H), dtype=jnp.float32) * (1.0 / np.sqrt(D_H))
    bg2 = jnp.zeros((D_P,), dtype=jnp.float32)
    # x_project: Linear(256->64) -> ReLU
    Wp = jax.random.normal(ks[6], (D_P, D_OUT), dtype=jnp.float32) * (1.0 / np.sqrt(D_OUT))
    bp = jnp.zeros((D_P,), dtype=jnp.float32)
    return {
        'x': x, 'edge_index': edge_index,
        'W_neigh': W_neigh, 'W_root': W_root, 'b_sage': b_sage,
        'gamma': gamma, 'beta': beta,
        'Wg1': Wg1, 'bg1': bg1, 'Wg2': Wg2, 'bg2': bg2,
        'Wp': Wp, 'bp': bp,
    }


def reference(x, edge_index, W_neigh, W_root, b_sage, gamma, beta, Wg1, bg1, Wg2, bg2, Wp, bp):
    src = edge_index[0]
    dst = edge_index[1]
    # SAGEConv with mean aggregation: gather source features, scatter-mean to dst
    msgs = jnp.take(x, src, axis=0)                                   # gather [E, D_IN]
    agg = jnp.zeros((N, D_IN), dtype=x.dtype).at[dst].add(msgs)       # scatter-add
    cnt = jnp.zeros((N,), dtype=x.dtype).at[dst].add(1.0)
    mean_agg = agg / jnp.clip(cnt, 1.0, None)[:, None]
    h = mean_agg @ W_neigh.T + x @ W_root.T + b_sage                  # [N, D_OUT]
    # GNN_relu_Block: ReLU -> LayerNorm (dropout is identity in eval)
    h = jax.nn.relu(h)
    mu = jnp.mean(h, axis=-1, keepdims=True)
    var = jnp.var(h, axis=-1, keepdims=True)
    h = (h - mu) / jnp.sqrt(var + 1e-5) * gamma + beta
    # my_GlobalAttention with nn != None: gate = softmax(gate_nn(h), batch)
    # batch is all-zeros, so softmax is over the node axis per channel
    g = jax.nn.relu(h @ Wg1.T + bg1) @ Wg2.T + bg2                    # [N, D_P]
    gate = jax.nn.softmax(g, axis=0)
    xp = jax.nn.relu(h @ Wp.T + bp)                                   # [N, D_P]
    out = gate * xp                                                   # nn is not None branch
    # F.normalize(out, dim=1)
    nrm = jnp.sqrt(jnp.sum(out * out, axis=1, keepdims=True))
    out = out / jnp.maximum(nrm, 1e-12)
    return out

if __name__ == "__main__":
    import jax
    _d = setup_inputs()
    print(jax.jit(kernel)(*tuple(_d.values())))

</pallas_src>

<mosaic_0001>
#map = affine_map<(d0, d1) -> (0, 0)>
#map1 = affine_map<(d0, d1) -> (0)>
#map2 = affine_map<(d0, d1) -> (0, 0, 0)>
module attributes {stable_mosaic.version = 14 : i64} {
  func.func @_sc_body(%arg0: i32, %arg1: i32, %arg2: memref<20000x128xf32, #tpu.memory_space<hbm>>, %arg3: memref<163840xi32, #tpu.memory_space<hbm>>, %arg4: memref<163840xi32, #tpu.memory_space<hbm>>, %arg5: memref<640x128xf32, #tpu.memory_space<hbm>>, %arg6: memref<640xf32, #tpu.memory_space<hbm>>, %arg7: memref<2x10240x128xf32, #tpu.memory_space<hbm>>, %arg8: memref<10240xf32, #tpu.memory_space<hbm>>, %arg9: memref<64xi32, #tpu.memory_space<vmem>>, %arg10: memref<64xi32, #tpu.memory_space<vmem>>, %arg11: memref<64xi32, #tpu.memory_space<vmem>>, %arg12: memref<64xi32, #tpu.memory_space<vmem>>, %arg13: memref<64xi32, #tpu.memory_space<vmem>>, %arg14: memref<64xi32, #tpu.memory_space<vmem>>, %arg15: memref<64xi32, #tpu.memory_space<vmem>>, %arg16: memref<64xi32, #tpu.memory_space<vmem>>, %arg17: memref<64xi32, #tpu.memory_space<vmem>>, %arg18: memref<64xi32, #tpu.memory_space<vmem>>, %arg19: memref<64x128xf32, #tpu.memory_space<vmem>>, %arg20: memref<64x128xf32, #tpu.memory_space<vmem>>, %arg21: memref<64x128xf32, #tpu.memory_space<vmem>>, %arg22: memref<64x128xf32, #tpu.memory_space<vmem>>, %arg23: memref<64x128xf32, #tpu.memory_space<vmem>>, %arg24: memref<64xf32, #tpu.memory_space<vmem>>, %arg25: memref<10240x128xf32, #tpu.memory_space<vmem_shared>>, %arg26: memref<10240xf32, #tpu.memory_space<vmem_shared>>, %arg27: memref<5x!tpu.dma_semaphore, #tpu.memory_space<semaphore_mem>>, %arg28: memref<5x!tpu.dma_semaphore, #tpu.memory_space<semaphore_mem>>, %arg29: memref<5x!tpu.dma_semaphore, #tpu.memory_space<semaphore_mem>>, %arg30: memref<5x!tpu.dma_semaphore, #tpu.memory_space<semaphore_mem>>) attributes {dimension_semantics = [#tpu.dimension_semantics<core_parallel>, #tpu.dimension_semantics<subcore_parallel>], iteration_bounds = array<i64: 2, 16>, scalar_prefetch = 0 : i64, scratch_operands = 22 : i64, tpu.core_type = #tpu.core_type<sc_vector_subcore>, window_params = [{transform_indices = #map}, {transform_indices = #map1}, {transform_indices = #map1}, {transform_indices = #map}, {transform_indices = #map1}, {transform_indices = #map2}, {transform_indices = #map1}]} {
    %mul3A = arith.constant 10240 : i32
    %mul3A_0 = arith.muli %arg1, %mul3A : i32
    %add3A = arith.constant 0 : i32
    %add3A_1 = arith.addi %mul3A_0, %add3A : i32
    %dma_start3A = arith.constant 0 : i32
    %dma_start3A_2 = tpu.memref_slice %arg3[%add3A_1] : memref<163840xi32, #tpu.memory_space<hbm>> -> memref<64xi32, #tpu.memory_space<hbm>>
    %dma_start3A_3 = tpu.memref_slice %arg27[%dma_start3A] : memref<5x!tpu.dma_semaphore, #tpu.memory_space<semaphore_mem>> -> memref<1x!tpu.dma_semaphore, #tpu.memory_space<semaphore_mem>>
    %dma_start3A_4 = tpu.memref_squeeze %dma_start3A_3 : memref<1x!tpu.dma_semaphore, #tpu.memory_space<semaphore_mem>> -> memref<!tpu.dma_semaphore, #tpu.memory_space<semaphore_mem>>
    %dma_start3A_5 = tpu.memref_slice %arg3[%add3A_1] : memref<163840xi32, #tpu.memory_space<hbm>> -> memref<64xi32, #tpu.memory_space<hbm>>
    tpu.enqueue_dma source(%dma_start3A_5 : memref<64xi32, #tpu.memory_space<hbm>>) target(%arg9 : memref<64xi32, #tpu.memory_space<vmem>>) target_semaphore(%dma_start3A_4 : memref<!tpu.dma_semaphore, #tpu.memory_space<semaphore_mem>>)
    %mul3A_6 = arith.constant 10240 : i32
    %mul3A_7 = arith.muli %arg1, %mul3A_6 : i32
    %add3A_8 = arith.constant 64 : i32
    %add3A_9 = arith.addi %mul3A_7, %add3A_8 : i32
    %dma_start3A_10 = arith.constant 1 : i32
    %dma_start3A_11 = tpu.memref_slice %arg3[%add3A_9] : memref<163840xi32, #tpu.memory_space<hbm>> -> memref<64xi32, #tpu.memory_space<hbm>>
    %dma_start3A_12 = tpu.memref_slice %arg27[%dma_start3A_10] : memref<5x!tpu.dma_semaphore, #tpu.memory_space<semaphore_mem>> -> memref<1x!tpu.dma_semaphore, #tpu.memory_space<semaphore_mem>>
    %dma_start3A_13 = tpu.memref_squeeze %dma_start3A_12 : memref<1x!tpu.dma_semaphore, #tpu.memory_space<semaphore_mem>> -> memref<!tpu.dma_semaphore, #tpu.memory_space<semaphore_mem>>
    %dma_start3A_14 = tpu.memref_slice %arg3[%add3A_9] : memref<163840xi32, #tpu.memory_space<hbm>> -> memref<64xi32, #tpu.memory_space<hbm>>
    tpu.enqueue_dma source(%dma_start3A_14 : memref<64xi32, #tpu.memory_space<hbm>>) target(%arg10 : memref<64xi32, #tpu.memory_space<vmem>>) target_semaphore(%dma_start3A_13 : memref<!tpu.dma_semaphore, #tpu.memory_space<semaphore_mem>>)
    %mul3A_15 = arith.constant 10240 : i32
    %mul3A_16 = arith.muli %arg1, %mul3A_15 : i32
    %add3A_17 = arith.constant 128 : i32
    %add3A_18 = arith.addi %mul3A_16, %add3A_17 : i32
    %dma_start3A_19 = arith.constant 2 : i32
    %dma_start3A_20 = tpu.memref_slice %arg3[%add3A_18] : memref<163840xi32, #tpu.memory_space<hbm>> -> memref<64xi32, #tpu.memory_space<hbm>>
    %dma_start3A_21 = tpu.memref_slice %arg27[%dma_start3A_19] : memref<5x!tpu.dma_semaphore, #tpu.memory_space<semaphore_mem>> -> memref<1x!tpu.dma_semaphore, #tpu.memory_space<semaphore_mem>>
    %dma_start3A_22 = tpu.memref_squeeze %dma_start3A_21 : memref<1x!tpu.dma_semaphore, #tpu.memory_space<semaphore_mem>> -> memref<!tpu.dma_semaphore, #tpu.memory_space<semaphore_mem>>
    %dma_start3A_23 = tpu.memref_slice %arg3[%add3A_18] : memref<163840xi32, #tpu.memory_space<hbm>> -> memref<64xi32, #tpu.memory_space<hbm>>
    tpu.enqueue_dma source(%dma_start3A_23 : memref<64xi32, #tpu.memory_space<hbm>>) target(%arg11 : memref<64xi32, #tpu.memory_space<vmem>>) target_semaphore(%dma_start3A_22 : memref<!tpu.dma_semaphore, #tpu.memory_space<semaphore_mem>>)
    %mul3A_24 = arith.constant 10240 : i32
    %mul3A_25 = arith.muli %arg1, %mul3A_24 : i32
    %add3A_26 = arith.constant 192 : i32
    %add3A_27 = arith.addi %mul3A_25, %add3A_26 : i32
    %dma_start3A_28 = arith.constant 3 : i32
    %dma_start3A_29 = tpu.memref_slice %arg3[%add3A_27] : memref<163840xi32, #tpu.memory_space<hbm>> -> memref<64xi32, #tpu.memory_space<hbm>>
    %dma_start3A_30 = tpu.memref_slice %arg27[%dma_start3A_28] : memref<5x!tpu.dma_semaphore, #tpu.memory_space<semaphore_mem>> -> memref<1x!tpu.dma_semaphore, #tpu.memory_space<semaphore_mem>>
    %dma_start3A_31 = tpu.memref_squeeze %dma_start3A_30 : memref<1x!tpu.dma_semaphore, #tpu.memory_space<semaphore_mem>> -> memref<!tpu.dma_semaphore, #tpu.memory_space<semaphore_mem>>
    %dma_start3A_32 = tpu.memref_slice %arg3[%add3A_27] : memref<163840xi32, #tpu.memory_space<hbm>> -> memref<64xi32, #tpu.memory_space<hbm>>
    tpu.enqueue_dma source(%dma_start3A_32 : memref<64xi32, #tpu.memory_space<hbm>>) target(%arg12 : memref<64xi32, #tpu.memory_space<vmem>>) target_semaphore(%dma_start3A_31 : memref<!tpu.dma_semaphore, #tpu.memory_space<semaphore_mem>>)
    %mul3A_33 = arith.constant 10240 : i32
    %mul3A_34 = arith.muli %arg1, %mul3A_33 : i32
    %add3A_35 = arith.constant 256 : i32
    %add3A_36 = arith.addi %mul3A_34, %add3A_35 : i32
    %dma_start3A_37 = arith.constant 4 : i32
    %dma_start3A_38 = tpu.memref_slice %arg3[%add3A_36] : memref<163840xi32, #tpu.memory_space<hbm>> -> memref<64xi32, #tpu.memory_space<hbm>>
    %dma_start3A_39 = tpu.memref_slice %arg27[%dma_start3A_37] : memref<5x!tpu.dma_semaphore, #tpu.memory_space<semaphore_mem>> -> memref<1x!tpu.dma_semaphore, #tpu.memory_space<semaphore_mem>>
    %dma_start3A_40 = tpu.memref_squeeze %dma_start3A_39 : memref<1x!tpu.dma_semaphore, #tpu.memory_space<semaphore_mem>> -> memref<!tpu.dma_semaphore, #tpu.memory_space<semaphore_mem>>
    %dma_start3A_41 = tpu.memref_slice %arg3[%add3A_36] : memref<163840xi32, #tpu.memory_space<hbm>> -> memref<64xi32, #tpu.memory_space<hbm>>
    tpu.enqueue_dma source(%dma_start3A_41 : memref<64xi32, #tpu.memory_space<hbm>>) target(%arg13 : memref<64xi32, #tpu.memory_space<vmem>>) target_semaphore(%dma_start3A_40 : memref<!tpu.dma_semaphore, #tpu.memory_space<semaphore_mem>>)
    %mul3A_42 = arith.constant 640 : i32
    %mul3A_43 = arith.muli %arg1, %mul3A_42 : i32
    "tpu.region"() ({
      %run_scoped3A = tpu.sem_alloc : memref<!tpu.dma_semaphore, #tpu.memory_space<semaphore_mem>>
      %dma_start3A_136 = arith.constant 0 : i32
      %dma_start3A_137 = tpu.memref_slice %arg25[%mul3A_43, %dma_start3A_136] : memref<10240x128xf32, #tpu.memory_space<vmem_shared>> -> memref<640x128xf32, #tpu.memory_space<vmem_shared>>
      tpu.enqueue_dma source(%arg5 : memref<640x128xf32, #tpu.memory_space<hbm>>) target(%dma_start3A_137 : memref<640x128xf32, #tpu.memory_space<vmem_shared>>) target_semaphore(%run_scoped3A : memref<!tpu.dma_semaphore, #tpu.memory_space<semaphore_mem>>)
      %dma_wait3A_138 = arith.constant 0 : i32
      %dma_wait3A_139 = tpu.memref_slice %arg25[%mul3A_43, %dma_wait3A_138] : memref<10240x128xf32, #tpu.memory_space<vmem_shared>> -> memref<640x128xf32, #tpu.memory_space<vmem_shared>>
      tpu.wait_dma2 semaphore(%run_scoped3A : memref<!tpu.dma_semaphore, #tpu.memory_space<semaphore_mem>>) src(%arg5 : memref<640x128xf32, #tpu.memory_space<hbm>>) dst(%dma_wait3A_139 : memref<640x128xf32, #tpu.memory_space<vmem_shared>>)
      tpu.yield
    }) : () -> ()
    %eq3A = arith.constant 0 : i32
    %eq3A_44 = arith.cmpi eq, %arg0, %eq3A : i32
    %convert_element_type3A = arith.extui %eq3A_44 : i1 to i32
    %cond3A = arith.constant 0 : i32
    %cond3A_45 = arith.cmpi ne, %convert_element_type3A, %cond3A : i32
    scf.if %cond3A_45 {
      %mul3A_136 = arith.constant 640 : i32
      %mul3A_137 = arith.muli %arg1, %mul3A_136 : i32
      "tpu.region"() ({
        %run_scoped3A = tpu.sem_alloc : memref<!tpu.dma_semaphore, #tpu.memory_space<semaphore_mem>>
        %dma_start3A_138 = tpu.memref_slice %arg26[%mul3A_137] : memref<10240xf32, #tpu.memory_space<vmem_shared>> -> memref<640xf32, #tpu.memory_space<vmem_shared>>
        tpu.enqueue_dma source(%arg6 : memref<640xf32, #tpu.memory_space<hbm>>) target(%dma_start3A_138 : memref<640xf32, #tpu.memory_space<vmem_shared>>) target_semaphore(%run_scoped3A : memref<!tpu.dma_semaphore, #tpu.memory_space<semaphore_mem>>)
        %dma_wait3A_139 = tpu.memref_slice %arg26[%mul3A_137] : memref<10240xf32, #tpu.memory_space<vmem_shared>> -> memref<640xf32, #tpu.memory_space<vmem_shared>>
        tpu.wait_dma2 semaphore(%run_scoped3A : memref<!tpu.dma_semaphore, #tpu.memory_space<semaphore_mem>>) src(%arg6 : memref<640xf32, #tpu.memory_space<hbm>>) dst(%dma_wait3A_139 : memref<640xf32, #tpu.memory_space<vmem_shared>>)
        tpu.yield
      }) : () -> ()
    } else {
    }
    %broadcast_in_dim3A = arith.constant 1.000000e+00 : f32
    %broadcast_in_dim3A_46 = vector.broadcast %broadcast_in_dim3A : f32 to vector<16xf32>
    %swap3A = arith.constant 0 : index
    %swap3A_47 = tpu.vector_load %arg24[%swap3A] {strides = array<i32>} : memref<64xf32, #tpu.memory_space<vmem>>, vector<16xf32>,
    %swap3A_48 = vector.shape_cast %swap3A_47 : vector<16xf32> to vector<16xf32>
    %swap3A_49 = vector.shape_cast %broadcast_in_dim3A_46 : vector<16xf32> to vector<16xf32>
    tpu.vector_store %arg24[%swap3A], %swap3A_49 {strides = array<i32>} : memref<64xf32, #tpu.memory_space<vmem>>, vector<16xf32>,
    %broadcast_in_dim3A_50 = arith.constant 1.000000e+00 : f32
    %broadcast_in_dim3A_51 = vector.broadcast %broadcast_in_dim3A_50 : f32 to vector<16xf32>
    %swap3A_52 = arith.constant 16 : index
    %swap3A_53 = tpu.vector_load %arg24[%swap3A_52] {strides = array<i32>} : memref<64xf32, #tpu.memory_space<vmem>>, vector<16xf32>,
    %swap3A_54 = vector.shape_cast %swap3A_53 : vector<16xf32> to vector<16xf32>
    %swap3A_55 = vector.shape_cast %broadcast_in_dim3A_51 : vector<16xf32> to vector<16xf32>
    tpu.vector_store %arg24[%swap3A_52], %swap3A_55 {strides = array<i32>} : memref<64xf32, #tpu.memory_space<vmem>>, vector<16xf32>,
    %broadcast_in_dim3A_56 = arith.constant 1.000000e+00 : f32
    %broadcast_in_dim3A_57 = vector.broadcast %broadcast_in_dim3A_56 : f32 to vector<16xf32>
    %swap3A_58 = arith.constant 32 : index
    %swap3A_59 = tpu.vector_load %arg24[%swap3A_58] {strides = array<i32>} : memref<64xf32, #tpu.memory_space<vmem>>, vector<16xf32>,
    %swap3A_60 = vector.shape_cast %swap3A_59 : vector<16xf32> to vector<16xf32>
    %swap3A_61 = vector.shape_cast %broadcast_in_dim3A_57 : vector<16xf32> to vector<16xf32>
    tpu.vector_store %arg24[%swap3A_58], %swap3A_61 {strides = array<i32>} : memref<64xf32, #tpu.memory_space<vmem>>, vector<16xf32>,
    %broadcast_in_dim3A_62 = arith.constant 1.000000e+00 : f32
    %broadcast_in_dim3A_63 = vector.broadcast %broadcast_in_dim3A_62 : f32 to vector<16xf32>
    %swap3A_64 = arith.constant 48 : index
    %swap3A_65 = tpu.vector_load %arg24[%swap3A_64] {strides = array<i32>} : memref<64xf32, #tpu.memory_space<vmem>>, vector<16xf32>,
    %swap3A_66 = vector.shape_cast %swap3A_65 : vector<16xf32> to vector<16xf32>
    %swap3A_67 = vector.shape_cast %broadcast_in_dim3A_63 : vector<16xf32> to vector<16xf32>
    tpu.vector_store %arg24[%swap3A_64], %swap3A_67 {strides = array<i32>} : memref<64xf32, #tpu.memory_space<vmem>>, vector<16xf32>,
    %barrier3A = arith.constant 0 : index
    tpu.barrier barrier_id(%barrier3A)
    %scan3A = arith.constant 0 : i32
    %scan3A_68 = arith.constant 32 : i32
    %scan3A_69 = arith.addi %scan3A, %scan3A_68 : i32
    %scan3A_70 = arith.constant 1 : i32
    scf.for %scan3A_136 = %scan3A to %scan3A_69 step %scan3A_70  : i32 {
      %gt3A = arith.constant 0 : i32
      %gt3A_137 = arith.cmpi sgt, %scan3A_136, %gt3A : i32
      %convert_element_type3A_138 = arith.extui %gt3A_137 : i1 to i32
      %cond3A_139 = arith.constant 0 : i32
      %cond3A_140 = arith.cmpi ne, %convert_element_type3A_138, %cond3A_139 : i32
      scf.if %cond3A_140 {
        %dma_wait3A_759 = arith.constant 0 : i32
        %dma_wait3A_760 = arith.constant 0 : i32
        %dma_wait3A_761 = arith.constant 0 : i32
        %dma_wait3A_762 = tpu.memref_slice %arg25[%dma_wait3A_760, %dma_wait3A_761] : memref<10240x128xf32, #tpu.memory_space<vmem_shared>> -> memref<10240x128xf32, #tpu.memory_space<vmem_shared>>
        %dma_wait3A_763 = tpu.memref_slice %arg30[%dma_wait3A_759] : memref<5x!tpu.dma_semaphore, #tpu.memory_space<semaphore_mem>> -> memref<1x!tpu.dma_semaphore, #tpu.memory_space<semaphore_mem>>
        %dma_wait3A_764 = tpu.memref_squeeze %dma_wait3A_763 : memref<1x!tpu.dma_semaphore, #tpu.memory_space<semaphore_mem>> -> memref<!tpu.dma_semaphore, #tpu.memory_space<semaphore_mem>>
        tpu.wait_indirect_dma semaphore(%dma_wait3A_764 : memref<!tpu.dma_semaphore, #tpu.memory_space<semaphore_mem>>) src(%arg19 : memref<64x128xf32, #tpu.memory_space<vmem>>) dst(%dma_wait3A_762 : memref<10240x128xf32, #tpu.memory_space<vmem_shared>>)
        %eq3A_765 = arith.constant 0 : i32
        %eq3A_766 = arith.cmpi eq, %arg0, %eq3A_765 : i32
        %convert_element_type3A_767 = arith.extui %eq3A_766 : i1 to i32
        %cond3A_768 = arith.constant 0 : i32
        %cond3A_769 = arith.cmpi ne, %convert_element_type3A_767, %cond3A_768 : i32
        scf.if %cond3A_769 {
          %dma_wait3A_770 = arith.constant 0 : i32
          %dma_wait3A_771 = arith.constant 0 : i32
          %dma_wait3A_772 = tpu.memref_slice %arg26[%dma_wait3A_771] : memref<10240xf32, #tpu.memory_space<vmem_shared>> -> memref<10240xf32, #tpu.memory_space<vmem_shared>>
          %dma_wait3A_773 = tpu.memref_slice %arg30[%dma_wait3A_770] : memref<5x!tpu.dma_semaphore, #tpu.memory_space<semaphore_mem>> -> memref<1x!tpu.dma_semaphore, #tpu.memory_space<semaphore_mem>>
          %dma_wait3A_774 = tpu.memref_squeeze %dma_wait3A_773 : memref<1x!tpu.dma_semaphore, #tpu.memory_space<semaphore_mem>> -> memref<!tpu.dma_semaphore, #tpu.memory_space<semaphore_mem>>
          tpu.wait_indirect_dma semaphore(%dma_wait3A_774 : memref<!tpu.dma_semaphore, #tpu.memory_space<semaphore_mem>>) src(%arg24 : memref<64xf32, #tpu.memory_space<vmem>>) dst(%dma_wait3A_772 : memref<10240xf32, #tpu.memory_space<vmem_shared>>)
        } else {
        }
      } else {
      }
      %mul3A_141 = arith.constant 10240 : i32
      %mul3A_142 = arith.muli %arg1, %mul3A_141 : i32
      %mul3A_143 = arith.constant 5 : i32
      %mul3A_144 = arith.muli %scan3A_136, %mul3A_143 : i32
      %add3A_145 = arith.constant 0 : i32
      %add3A_146 = arith.addi %mul3A_144, %add3A_145 : i32
      %mul3A_147 = arith.constant 64 : i32
      %mul3A_148 = arith.muli %add3A_146, %mul3A_147 : i32
      %add3A_149 = arith.addi %mul3A_142, %mul3A_148 : i32
      %dma_start3A_150 = arith.constant 0 : i32
      %dma_start3A_151 = tpu.memref_slice %arg4[%add3A_149] : memref<163840xi32, #tpu.memory_space<hbm>> -> memref<64xi32, #tpu.memory_space<hbm>>
      %dma_start3A_152 = tpu.memref_slice %arg28[%dma_start3A_150] : memref<5x!tpu.dma_semaphore, #tpu.memory_space<semaphore_mem>> -> memref<1x!tpu.dma_semaphore, #tpu.memory_space<semaphore_mem>>
      %dma_start3A_153 = tpu.memref_squeeze %dma_start3A_152 : memref<1x!tpu.dma_semaphore, #tpu.memory_space<semaphore_mem>> -> memref<!tpu.dma_semaphore, #tpu.memory_space<semaphore_mem>>
      %dma_start3A_154 = tpu.memref_slice %arg4[%add3A_149] : memref<163840xi32, #tpu.memory_space<hbm>> -> memref<64xi32, #tpu.memory_space<hbm>>
      tpu.enqueue_dma source(%dma_start3A_154 : memref<64xi32, #tpu.memory_space<hbm>>) target(%arg14 : memref<64xi32, #tpu.memory_space<vmem>>) target_semaphore(%dma_start3A_153 : memref<!tpu.dma_semaphore, #tpu.memory_space<semaphore_mem>>)
      %mul3A_155 = arith.constant 10240 : i32
      %mul3A_156 = arith.muli %arg1, %mul3A_155 : i32
      %mul3A_157 = arith.constant 5 : i32
      %mul3A_158 = arith.muli %scan3A_136, %mul3A_157 : i32
      %add3A_159 = arith.constant 0 : i32
      %add3A_160 = arith.addi %mul3A_158, %add3A_159 : i32
      %mul3A_161 = arith.constant 64 : i32
      %mul3A_162 = arith.muli %add3A_160, %mul3A_161 : i32
      %add3A_163 = arith.addi %mul3A_156, %mul3A_162 : i32
      %dma_wait3A_164 = arith.constant 0 : i32
      %dma_wait3A_165 = tpu.memref_slice %arg3[%add3A_163] : memref<163840xi32, #tpu.memory_space<hbm>> -> memref<64xi32, #tpu.memory_space<hbm>>
      %dma_wait3A_166 = tpu.memref_slice %arg27[%dma_wait3A_164] : memref<5x!tpu.dma_semaphore, #tpu.memory_space<semaphore_mem>> -> memref<1x!tpu.dma_semaphore, #tpu.memory_space<semaphore_mem>>
      %dma_wait3A_167 = tpu.memref_squeeze %dma_wait3A_166 : memref<1x!tpu.dma_semaphore, #tpu.memory_space<semaphore_mem>> -> memref<!tpu.dma_semaphore, #tpu.memory_space<semaphore_mem>>
      %dma_wait3A_168 = tpu.memref_slice %arg3[%add3A_163] : memref<163840xi32, #tpu.memory_space<hbm>> -> memref<64xi32, #tpu.memory_space<hbm>>
      tpu.wait_dma2 semaphore(%dma_wait3A_167 : memref<!tpu.dma_semaphore, #tpu.memory_space<semaphore_mem>>) src(%dma_wait3A_168 : memref<64xi32, #tpu.memory_space<hbm>>) dst(%arg9 : memref<64xi32, #tpu.memory_space<vmem>>)
      %get3A = arith.constant 0 : index
      %get3A_169 = tpu.vector_load %arg9[%get3A] {strides = array<i32>} : memref<64xi32, #tpu.memory_space<vmem>>, vector<16xi32>,
      %get3A_170 = vector.shape_cast %get3A_169 : vector<16xi32> to vector<16xi32>
      %mul3A_171 = arith.constant 2 : i32
      %mul3A_172 = vector.broadcast %mul3A_171 : i32 to vector<16xi32>
      %mul3A_173 = arith.muli %get3A_170, %mul3A_172 : vector<16xi32>
      %add3A_174 = vector.broadcast %arg0 : i32 to vector<16xi32>
      %add3A_175 = arith.addi %mul3A_173, %add3A_174 : vector<16xi32>
      %swap3A_176 = arith.constant 0 : index
      %swap3A_177 = tpu.vector_load %arg9[%swap3A_176] {strides = array<i32>} : memref<64xi32, #tpu.memory_space<vmem>>, vector<16xi32>,
      %swap3A_178 = vector.shape_cast %swap3A_177 : vector<16xi32> to vector<16xi32>
      %swap3A_179 = vector.shape_cast %add3A_175 : vector<16xi32> to vector<16xi32>
      tpu.vector_store %arg9[%swap3A_176], %swap3A_179 {strides = array<i32>} : memref<64xi32, #tpu.memory_space<vmem>>, vector<16xi32>,
      %get3A_180 = arith.constant 16 : index
      %get3A_181 = tpu.vector_load %arg9[%get3A_180] {strides = array<i32>} : memref<64xi32, #tpu.memory_space<vmem>>, vector<16xi32>,
      %get3A_182 = vector.shape_cast %get3A_181 : vector<16xi32> to vector<16xi32>
      %mul3A_183 = arith.constant 2 : i32
      %mul3A_184 = vector.broadcast %mul3A_183 : i32 to vector<16xi32>
      %mul3A_185 = arith.muli %get3A_182, %mul3A_184 : vector<16xi32>
      %add3A_186 = vector.broadcast %arg0 : i32 to vector<16xi32>
      %add3A_187 = arith.addi %mul3A_185, %add3A_186 : vector<16xi32>
      %swap3A_188 = arith.constant 16 : index
      %swap3A_189 = tpu.vector_load %arg9[%swap3A_188] {strides = array<i32>} : memref<64xi32, #tpu.memory_space<vmem>>, vector<16xi32>,
      %swap3A_190 = vector.shape_cast %swap3A_189 : vector<16xi32> to vector<16xi32>
      %swap3A_191 = vector.shape_cast %add3A_187 : vector<16xi32> to vector<16xi32>
      tpu.vector_store %arg9[%swap3A_188], %swap3A_191 {strides = array<i32>} : memref<64xi32, #tpu.memory_space<vmem>>, vector<16xi32>,
      %get3A_192 = arith.constant 32 : index
      %get3A_193 = tpu.vector_load %arg9[%get3A_192] {strides = array<i32>} : memref<64xi32, #tpu.memory_space<vmem>>, vector<16xi32>,
      %get3A_194 = vector.shape_cast %get3A_193 : vector<16xi32> to vector<16xi32>
      %mul3A_195 = arith.constant 2 : i32
      %mul3A_196 = vector.broadcast %mul3A_195 : i32 to vector<16xi32>
      %mul3A_197 = arith.muli %get3A_194, %mul3A_196 : vector<16xi32>
      %add3A_198 = vector.broadcast %arg0 : i32 to vector<16xi32>
      %add3A_199 = arith.addi %mul3A_197, %add3A_198 : vector<16xi32>
      %swap3A_200 = arith.constant 32 : index
      %swap3A_201 = tpu.vector_load %arg9[%swap3A_200] {strides = array<i32>} : memref<64xi32, #tpu.memory_space<vmem>>, vector<16xi32>,
      %swap3A_202 = vector.shape_cast %swap3A_201 : vector<16xi32> to vector<16xi32>
      %swap3A_203 = vector.shape_cast %add3A_199 : vector<16xi32> to vector<16xi32>
      tpu.vector_store %arg9[%swap3A_200], %swap3A_203 {strides = array<i32>} : memref<64xi32, #tpu.memory_space<vmem>>, vector<16xi32>,
      %get3A_204 = arith.constant 48 : index
      %get3A_205 = tpu.vector_load %arg9[%get3A_204] {strides = array<i32>} : memref<64xi32, #tpu.memory_space<vmem>>, vector<16xi32>,
      %get3A_206 = vector.shape_cast %get3A_205 : vector<16xi32> to vector<16xi32>
      %mul3A_207 = arith.constant 2 : i32
      %mul3A_208 = vector.broadcast %mul3A_207 : i32 to vector<16xi32>
      %mul3A_209 = arith.muli %get3A_206, %mul3A_208 : vector<16xi32>
      %add3A_210 = vector.broadcast %arg0 : i32 to vector<16xi32>
      %add3A_211 = arith.addi %mul3A_209, %add3A_210 : vector<16xi32>
      %swap3A_212 = arith.constant 48 : index
      %swap3A_213 = tpu.vector_load %arg9[%swap3A_212] {strides = array<i32>} : memref<64xi32, #tpu.memory_space<vmem>>, vector<16xi32>,
      %swap3A_214 = vector.shape_cast %swap3A_213 : vector<16xi32> to vector<16xi32>
      %swap3A_215 = vector.shape_cast %add3A_211 : vector<16xi32> to vector<16xi32>
      tpu.vector_store %arg9[%swap3A_212], %swap3A_215 {strides = array<i32>} : memref<64xi32, #tpu.memory_space<vmem>>, vector<16xi32>,
      %dma_start3A_216 = arith.constant 0 : i32
      %dma_start3A_217 = arith.constant 0 : i32
      %dma_start3A_218 = arith.constant 0 : i32
      %dma_start3A_219 = tpu.memref_slice %arg2[%dma_start3A_217, %dma_start3A_218] : memref<20000x128xf32, #tpu.memory_space<hbm>> -> memref<20000x128xf32, #tpu.memory_space<hbm>>
      %dma_start3A_220 = tpu.memref_slice %arg29[%dma_start3A_216] : memref<5x!tpu.dma_semaphore, #tpu.memory_space<semaphore_mem>> -> memref<1x!tpu.dma_semaphore, #tpu.memory_space<semaphore_mem>>
      %dma_start3A_221 = tpu.memref_squeeze %dma_start3A_220 : memref<1x!tpu.dma_semaphore, #tpu.memory_space<semaphore_mem>> -> memref<!tpu.dma_semaphore, #tpu.memory_space<semaphore_mem>>
      tpu.enqueue_indirect_dma source(%dma_start3A_219 : memref<20000x128xf32, #tpu.memory_space<hbm>>) target(%arg19 : memref<64x128xf32, #tpu.memory_space<vmem>>) offsets(%arg9 : memref<64xi32, #tpu.memory_space<vmem>>) semaphore(%dma_start3A_221 : memref<!tpu.dma_semaphore, #tpu.memory_space<semaphore_mem>>)
      %gt3A_222 = arith.constant 0 : i32
      %gt3A_223 = arith.cmpi sgt, %scan3A_136, %gt3A_222 : i32
      %convert_element_type3A_224 = arith.extui %gt3A_223 : i1 to i32
      %cond3A_225 = arith.constant 0 : i32
      %cond3A_226 = arith.cmpi ne, %convert_element_type3A_224, %cond3A_225 : i32
      scf.if %cond3A_226 {
        %dma_wait3A_759 = arith.constant 1 : i32
        %dma_wait3A_760 = arith.constant 0 : i32
        %dma_wait3A_761 = arith.constant 0 : i32
        %dma_wait3A_762 = tpu.memref_slice %arg25[%dma_wait3A_760, %dma_wait3A_761] : memref<10240x128xf32, #tpu.memory_space<vmem_shared>> -> memref<10240x128xf32, #tpu.memory_space<vmem_shared>>
        %dma_wait3A_763 = tpu.memref_slice %arg30[%dma_wait3A_759] : memref<5x!tpu.dma_semaphore, #tpu.memory_space<semaphore_mem>> -> memref<1x!tpu.dma_semaphore, #tpu.memory_space<semaphore_mem>>
        %dma_wait3A_764 = tpu.memref_squeeze %dma_wait3A_763 : memref<1x!tpu.dma_semaphore, #tpu.memory_space<semaphore_mem>> -> memref<!tpu.dma_semaphore, #tpu.memory_space<semaphore_mem>>
        tpu.wait_indirect_dma semaphore(%dma_wait3A_764 : memref<!tpu.dma_semaphore, #tpu.memory_space<semaphore_mem>>) src(%arg20 : memref<64x128xf32, #tpu.memory_space<vmem>>) dst(%dma_wait3A_762 : memref<10240x128xf32, #tpu.memory_space<vmem_shared>>)
        %eq3A_765 = arith.constant 0 : i32
        %eq3A_766 = arith.cmpi eq, %arg0, %eq3A_765 : i32
        %convert_element_type3A_767 = arith.extui %eq3A_766 : i1 to i32
        %cond3A_768 = arith.constant 0 : i32
        %cond3A_769 = arith.cmpi ne, %convert_element_type3A_767, %cond3A_768 : i32
        scf.if %cond3A_769 {
          %dma_wait3A_770 = arith.constant 1 : i32
          %dma_wait3A_771 = arith.constant 0 : i32
          %dma_wait3A_772 = tpu.memref_slice %arg26[%dma_wait3A_771] : memref<10240xf32, #tpu.memory_space<vmem_shared>> -> memref<10240xf32, #tpu.memory_space<vmem_shared>>
          %dma_wait3A_773 = tpu.memref_slice %arg30[%dma_wait3A_770] : memref<5x!tpu.dma_semaphore, #tpu.memory_space<semaphore_mem>> -> memref<1x!tpu.dma_semaphore, #tpu.memory_space<semaphore_mem>>
          %dma_wait3A_774 = tpu.memref_squeeze %dma_wait3A_773 : memref<1x!tpu.dma_semaphore, #tpu.memory_space<semaphore_mem>> -> memref<!tpu.dma_semaphore, #tpu.memory_space<semaphore_mem>>
          tpu.wait_indirect_dma semaphore(%dma_wait3A_774 : memref<!tpu.dma_semaphore, #tpu.memory_space<semaphore_mem>>) src(%arg24 : memref<64xf32, #tpu.memory_space<vmem>>) dst(%dma_wait3A_772 : memref<10240xf32, #tpu.memory_space<vmem_shared>>)
        } else {
        }
      } else {
      }
      %mul3A_227 = arith.constant 10240 : i32
      %mul3A_228 = arith.muli %arg1, %mul3A_227 : i32
      %mul3A_229 = arith.constant 5 : i32
      %mul3A_230 = arith.muli %scan3A_136, %mul3A_229 : i32
      %add3A_231 = arith.constant 1 : i32
      %add3A_232 = arith.addi %mul3A_230, %add3A_231 : i32
      %mul3A_233 = arith.constant 64 : i32
      %mul3A_234 = arith.muli %add3A_232, %mul3A_233 : i32
      %add3A_235 = arith.addi %mul3A_228, %mul3A_234 : i32
      %dma_start3A_236 = arith.constant 1 : i32
      %dma_start3A_237 = tpu.memref_slice %arg4[%add3A_235] : memref<163840xi32, #tpu.memory_space<hbm>> -> memref<64xi32, #tpu.memory_space<hbm>>
      %dma_start3A_238 = tpu.memref_slice %arg28[%dma_start3A_236] : memref<5x!tpu.dma_semaphore, #tpu.memory_space<semaphore_mem>> -> memref<1x!tpu.dma_semaphore, #tpu.memory_space<semaphore_mem>>
      %dma_start3A_239 = tpu.memref_squeeze %dma_start3A_238 : memref<1x!tpu.dma_semaphore, #tpu.memory_space<semaphore_mem>> -> memref<!tpu.dma_semaphore, #tpu.memory_space<semaphore_mem>>
      %dma_start3A_240 = tpu.memref_slice %arg4[%add3A_235] : memref<163840xi32, #tpu.memory_space<hbm>> -> memref<64xi32, #tpu.memory_space<hbm>>
      tpu.enqueue_dma source(%dma_start3A_240 : memref<64xi32, #tpu.memory_space<hbm>>) target(%arg15 : memref<64xi32, #tpu.memory_space<vmem>>) target_semaphore(%dma_start3A_239 : memref<!tpu.dma_semaphore, #tpu.memory_space<semaphore_mem>>)
      %mul3A_241 = arith.constant 10240 : i32
      %mul3A_242 = arith.muli %arg1, %mul3A_241 : i32
      %mul3A_243 = arith.constant 5 : i32
      %mul3A_244 = arith.muli %scan3A_136, %mul3A_243 : i32
      %add3A_245 = arith.constant 1 : i32
      %add3A_246 = arith.addi %mul3A_244, %add3A_245 : i32
      %mul3A_247 = arith.constant 64 : i32
      %mul3A_248 = arith.muli %add3A_246, %mul3A_247 : i32
      %add3A_249 = arith.addi %mul3A_242, %mul3A_248 : i32
      %dma_wait3A_250 = arith.constant 1 : i32
      %dma_wait3A_251 = tpu.memref_slice %arg3[%add3A_249] : memref<163840xi32, #tpu.memory_space<hbm>> -> memref<64xi32, #tpu.memory_space<hbm>>
      %dma_wait3A_252 = tpu.memref_slice %arg27[%dma_wait3A_250] : memref<5x!tpu.dma_semaphore, #tpu.memory_space<semaphore_mem>> -> memref<1x!tpu.dma_semaphore, #tpu.memory_space<semaphore_mem>>
      %dma_wait3A_253 = tpu.memref_squeeze %dma_wait3A_252 : memref<1x!tpu.dma_semaphore, #tpu.memory_space<semaphore_mem>> -> memref<!tpu.dma_semaphore, #tpu.memory_space<semaphore_mem>>
      %dma_wait3A_254 = tpu.memref_slice %arg3[%add3A_249] : memref<163840xi32, #tpu.memory_space<hbm>> -> memref<64xi32, #tpu.memory_space<hbm>>
      tpu.wait_dma2 semaphore(%dma_wait3A_253 : memref<!tpu.dma_semaphore, #tpu.memory_space<semaphore_mem>>) src(%dma_wait3A_254 : memref<64xi32, #tpu.memory_space<hbm>>) dst(%arg10 : memref<64xi32, #tpu.memory_space<vmem>>)
      %get3A_255 = arith.constant 0 : index
      %get3A_256 = tpu.vector_load %arg10[%get3A_255] {strides = array<i32>} : memref<64xi32, #tpu.memory_space<vmem>>, vector<16xi32>,
      %get3A_257 = vector.shape_cast %get3A_256 : vector<16xi32> to vector<16xi32>
      %mul3A_258 = arith.constant 2 : i32
      %mul3A_259 = vector.broadcast %mul3A_258 : i32 to vector<16xi32>
      %mul3A_260 = arith.muli %get3A_257, %mul3A_259 : vector<16xi32>
      %add3A_261 = vector.broadcast %arg0 : i32 to vector<16xi32>
      %add3A_262 = arith.addi %mul3A_260, %add3A_261 : vector<16xi32>
      %swap3A_263 = arith.constant 0 : index
      %swap3A_264 = tpu.vector_load %arg10[%swap3A_263] {strides = array<i32>} : memref<64xi32, #tpu.memory_space<vmem>>, vector<16xi32>,
      %swap3A_265 = vector.shape_cast %swap3A_264 : vector<16xi32> to vector<16xi32>
      %swap3A_266 = vector.shape_cast %add3A_262 : vector<16xi32> to vector<16xi32>
      tpu.vector_store %arg10[%swap3A_263], %swap3A_266 {strides = array<i32>} : memref<64xi32, #tpu.memory_space<vmem>>, vector<16xi32>,
      %get3A_267 = arith.constant 16 : index
      %get3A_268 = tpu.vector_load %arg10[%get3A_267] {strides = array<i32>} : memref<64xi32, #tpu.memory_space<vmem>>, vector<16xi32>,
      %get3A_269 = vector.shape_cast %get3A_268 : vector<16xi32> to vector<16xi32>
      %mul3A_270 = arith.constant 2 : i32
      %mul3A_271 = vector.broadcast %mul3A_270 : i32 to vector<16xi32>
      %mul3A_272 = arith.muli %get3A_269, %mul3A_271 : vector<16xi32>
      %add3A_273 = vector.broadcast %arg0 : i32 to vector<16xi32>
      %add3A_274 = arith.addi %mul3A_272, %add3A_273 : vector<16xi32>
      %swap3A_275 = arith.constant 16 : index
      %swap3A_276 = tpu.vector_load %arg10[%swap3A_275] {strides = array<i32>} : memref<64xi32, #tpu.memory_space<vmem>>, vector<16xi32>,
      %swap3A_277 = vector.shape_cast %swap3A_276 : vector<16xi32> to vector<16xi32>
      %swap3A_278 = vector.shape_cast %add3A_274 : vector<16xi32> to vector<16xi32>
      tpu.vector_store %arg10[%swap3A_275], %swap3A_278 {strides = array<i32>} : memref<64xi32, #tpu.memory_space<vmem>>, vector<16xi32>,
      %get3A_279 = arith.constant 32 : index
      %get3A_280 = tpu.vector_load %arg10[%get3A_279] {strides = array<i32>} : memref<64xi32, #tpu.memory_space<vmem>>, vector<16xi32>,
      %get3A_281 = vector.shape_cast %get3A_280 : vector<16xi32> to vector<16xi32>
      %mul3A_282 = arith.constant 2 : i32
      %mul3A_283 = vector.broadcast %mul3A_282 : i32 to vector<16xi32>
      %mul3A_284 = arith.muli %get3A_281, %mul3A_283 : vector<16xi32>
      %add3A_285 = vector.broadcast %arg0 : i32 to vector<16xi32>
      %add3A_286 = arith.addi %mul3A_284, %add3A_285 : vector<16xi32>
      %swap3A_287 = arith.constant 32 : index
      %swap3A_288 = tpu.vector_load %arg10[%swap3A_287] {strides = array<i32>} : memref<64xi32, #tpu.memory_space<vmem>>, vector<16xi32>,
      %swap3A_289 = vector.shape_cast %swap3A_288 : vector<16xi32> to vector<16xi32>
      %swap3A_290 = vector.shape_cast %add3A_286 : vector<16xi32> to vector<16xi32>
      tpu.vector_store %arg10[%swap3A_287], %swap3A_290 {strides = array<i32>} : memref<64xi32, #tpu.memory_space<vmem>>, vector<16xi32>,
      %get3A_291 = arith.constant 48 : index
      %get3A_292 = tpu.vector_load %arg10[%get3A_291] {strides = array<i32>} : memref<64xi32, #tpu.memory_space<vmem>>, vector<16xi32>,
      %get3A_293 = vector.shape_cast %get3A_292 : vector<16xi32> to vector<16xi32>
      %mul3A_294 = arith.constant 2 : i32
      %mul3A_295 = vector.broadcast %mul3A_294 : i32 to vector<16xi32>
      %mul3A_296 = arith.muli %get3A_293, %mul3A_295 : vector<16xi32>
      %add3A_297 = vector.broadcast %arg0 : i32 to vector<16xi32>
      %add3A_298 = arith.addi %mul3A_296, %add3A_297 : vector<16xi32>
      %swap3A_299 = arith.constant 48 : index
      %swap3A_300 = tpu.vector_load %arg10[%swap3A_299] {strides = array<i32>} : memref<64xi32, #tpu.memory_space<vmem>>, vector<16xi32>,
      %swap3A_301 = vector.shape_cast %swap3A_300 : vector<16xi32> to vector<16xi32>
      %swap3A_302 = vector.shape_cast %add3A_298 : vector<16xi32> to vector<16xi32>
      tpu.vector_store %arg10[%swap3A_299], %swap3A_302 {strides = array<i32>} : memref<64xi32, #tpu.memory_space<vmem>>, vector<16xi32>,
      %dma_start3A_303 = arith.constant 1 : i32
      %dma_start3A_304 = arith.constant 0 : i32
      %dma_start3A_305 = arith.constant 0 : i32
      %dma_start3A_306 = tpu.memref_slice %arg2[%dma_start3A_304, %dma_start3A_305] : memref<20000x128xf32, #tpu.memory_space<hbm>> -> memref<20000x128xf32, #tpu.memory_space<hbm>>
      %dma_start3A_307 = tpu.memref_slice %arg29[%dma_start3A_303] : memref<5x!tpu.dma_semaphore, #tpu.memory_space<semaphore_mem>> -> memref<1x!tpu.dma_semaphore, #tpu.memory_space<semaphore_mem>>
      %dma_start3A_308 = tpu.memref_squeeze %dma_start3A_307 : memref<1x!tpu.dma_semaphore, #tpu.memory_space<semaphore_mem>> -> memref<!tpu.dma_semaphore, #tpu.memory_space<semaphore_mem>>
      tpu.enqueue_indirect_dma source(%dma_start3A_306 : memref<20000x128xf32, #tpu.memory_space<hbm>>) target(%arg20 : memref<64x128xf32, #tpu.memory_space<vmem>>) offsets(%arg10 : memref<64xi32, #tpu.memory_space<vmem>>) semaphore(%dma_start3A_308 : memref<!tpu.dma_semaphore, #tpu.memory_space<semaphore_mem>>)
      %gt3A_309 = arith.constant 0 : i32
      %gt3A_310 = arith.cmpi sgt, %scan3A_136, %gt3A_309 : i32
      %convert_element_type3A_311 = arith.extui %gt3A_310 : i1 to i32
      %cond3A_312 = arith.constant 0 : i32
      %cond3A_313 = arith.cmpi ne, %convert_element_type3A_311, %cond3A_312 : i32
      scf.if %cond3A_313 {
        %dma_wait3A_759 = arith.constant 2 : i32
        %dma_wait3A_760 = arith.constant 0 : i32
        %dma_wait3A_761 = arith.constant 0 : i32
        %dma_wait3A_762 = tpu.memref_slice %arg25[%dma_wait3A_760, %dma_wait3A_761] : memref<10240x128xf32, #tpu.memory_space<vmem_shared>> -> memref<10240x128xf32, #tpu.memory_space<vmem_shared>>
        %dma_wait3A_763 = tpu.memref_slice %arg30[%dma_wait3A_759] : memref<5x!tpu.dma_semaphore, #tpu.memory_space<semaphore_mem>> -> memref<1x!tpu.dma_semaphore, #tpu.memory_space<semaphore_mem>>
        %dma_wait3A_764 = tpu.memref_squeeze %dma_wait3A_763 : memref<1x!tpu.dma_semaphore, #tpu.memory_space<semaphore_mem>> -> memref<!tpu.dma_semaphore, #tpu.memory_space<semaphore_mem>>
        tpu.wait_indirect_dma semaphore(%dma_wait3A_764 : memref<!tpu.dma_semaphore, #tpu.memory_space<semaphore_mem>>) src(%arg21 : memref<64x128xf32, #tpu.memory_space<vmem>>) dst(%dma_wait3A_762 : memref<10240x128xf32, #tpu.memory_space<vmem_shared>>)
        %eq3A_765 = arith.constant 0 : i32
        %eq3A_766 = arith.cmpi eq, %arg0, %eq3A_765 : i32
        %convert_element_type3A_767 = arith.extui %eq3A_766 : i1 to i32
        %cond3A_768 = arith.constant 0 : i32
        %cond3A_769 = arith.cmpi ne, %convert_element_type3A_767, %cond3A_768 : i32
        scf.if %cond3A_769 {
          %dma_wait3A_770 = arith.constant 2 : i32
          %dma_wait3A_771 = arith.constant 0 : i32
          %dma_wait3A_772 = tpu.memref_slice %arg26[%dma_wait3A_771] : memref<10240xf32, #tpu.memory_space<vmem_shared>> -> memref<10240xf32, #tpu.memory_space<vmem_shared>>
          %dma_wait3A_773 = tpu.memref_slice %arg30[%dma_wait3A_770] : memref<5x!tpu.dma_semaphore, #tpu.memory_space<semaphore_mem>> -> memref<1x!tpu.dma_semaphore, #tpu.memory_space<semaphore_mem>>
          %dma_wait3A_774 = tpu.memref_squeeze %dma_wait3A_773 : memref<1x!tpu.dma_semaphore, #tpu.memory_space<semaphore_mem>> -> memref<!tpu.dma_semaphore, #tpu.memory_space<semaphore_mem>>
          tpu.wait_indirect_dma semaphore(%dma_wait3A_774 : memref<!tpu.dma_semaphore, #tpu.memory_space<semaphore_mem>>) src(%arg24 : memref<64xf32, #tpu.memory_space<vmem>>) dst(%dma_wait3A_772 : memref<10240xf32, #tpu.memory_space<vmem_shared>>)
        } else {
        }
      } else {
      }
      %mul3A_314 = arith.constant 10240 : i32
      %mul3A_315 = arith.muli %arg1, %mul3A_314 : i32
      %mul3A_316 = arith.constant 5 : i32
      %mul3A_317 = arith.muli %scan3A_136, %mul3A_316 : i32
      %add3A_318 = arith.constant 2 : i32
      %add3A_319 = arith.addi %mul3A_317, %add3A_318 : i32
      %mul3A_320 = arith.constant 64 : i32
      %mul3A_321 = arith.muli %add3A_319, %mul3A_320 : i32
      %add3A_322 = arith.addi %mul3A_315, %mul3A_321 : i32
      %dma_start3A_323 = arith.constant 2 : i32
      %dma_start3A_324 = tpu.memref_slice %arg4[%add3A_322] : memref<163840xi32, #tpu.memory_space<hbm>> -> memref<64xi32, #tpu.memory_space<hbm>>
      %dma_start3A_325 = tpu.memref_slice %arg28[%dma_start3A_323] : memref<5x!tpu.dma_semaphore, #tpu.memory_space<semaphore_mem>> -> memref<1x!tpu.dma_semaphore, #tpu.memory_space<semaphore_mem>>
      %dma_start3A_326 = tpu.memref_squeeze %dma_start3A_325 : memref<1x!tpu.dma_semaphore, #tpu.memory_space<semaphore_mem>> -> memref<!tpu.dma_semaphore, #tpu.memory_space<semaphore_mem>>
      %dma_start3A_327 = tpu.memref_slice %arg4[%add3A_322] : memref<163840xi32, #tpu.memory_space<hbm>> -> memref<64xi32, #tpu.memory_space<hbm>>
      tpu.enqueue_dma source(%dma_start3A_327 : memref<64xi32, #tpu.memory_space<hbm>>) target(%arg16 : memref<64xi32, #tpu.memory_space<vmem>>) target_semaphore(%dma_start3A_326 : memref<!tpu.dma_semaphore, #tpu.memory_space<semaphore_mem>>)
      %mul3A_328 = arith.constant 10240 : i32
      %mul3A_329 = arith.muli %arg1, %mul3A_328 : i32
      %mul3A_330 = arith.constant 5 : i32
      %mul3A_331 = arith.muli %scan3A_136, %mul3A_330 : i32
      %add3A_332 = arith.constant 2 : i32
      %add3A_333 = arith.addi %mul3A_331, %add3A_332 : i32
      %mul3A_334 = arith.constant 64 : i32
      %mul3A_335 = arith.muli %add3A_333, %mul3A_334 : i32
      %add3A_336 = arith.addi %mul3A_329, %mul3A_335 : i32
      %dma_wait3A_337 = arith.constant 2 : i32
      %dma_wait3A_338 = tpu.memref_slice %arg3[%add3A_336] : memref<163840xi32, #tpu.memory_space<hbm>> -> memref<64xi32, #tpu.memory_space<hbm>>
      %dma_wait3A_339 = tpu.memref_slice %arg27[%dma_wait3A_337] : memref<5x!tpu.dma_semaphore, #tpu.memory_space<semaphore_mem>> -> memref<1x!tpu.dma_semaphore, #tpu.memory_space<semaphore_mem>>
      %dma_wait3A_340 = tpu.memref_squeeze %dma_wait3A_339 : memref<1x!tpu.dma_semaphore, #tpu.memory_space<semaphore_mem>> -> memref<!tpu.dma_semaphore, #tpu.memory_space<semaphore_mem>>
      %dma_wait3A_341 = tpu.memref_slice %arg3[%add3A_336] : memref<163840xi32, #tpu.memory_space<hbm>> -> memref<64xi32, #tpu.memory_space<hbm>>
      tpu.wait_dma2 semaphore(%dma_wait3A_340 : memref<!tpu.dma_semaphore, #tpu.memory_space<semaphore_mem>>) src(%dma_wait3A_341 : memref<64xi32, #tpu.memory_space<hbm>>) dst(%arg11 : memref<64xi32, #tpu.memory_space<vmem>>)
      %get3A_342 = arith.constant 0 : index
      %get3A_343 = tpu.vector_load %arg11[%get3A_342] {strides = array<i32>} : memref<64xi32, #tpu.memory_space<vmem>>, vector<16xi32>,
      %get3A_344 = vector.shape_cast %get3A_343 : vector<16xi32> to vector<16xi32>
      %mul3A_345 = arith.constant 2 : i32
      %mul3A_346 = vector.broadcast %mul3A_345 : i32 to vector<16xi32>
      %mul3A_347 = arith.muli %get3A_344, %mul3A_346 : vector<16xi32>
      %add3A_348 = vector.broadcast %arg0 : i32 to vector<16xi32>
      %add3A_349 = arith.addi %mul3A_347, %add3A_348 : vector<16xi32>
      %swap3A_350 = arith.constant 0 : index
      %swap3A_351 = tpu.vector_load %arg11[%swap3A_350] {strides = array<i32>} : memref<64xi32, #tpu.memory_space<vmem>>, vector<16xi32>,
      %swap3A_352 = vector.shape_cast %swap3A_351 : vector<16xi32> to vector<16xi32>
      %swap3A_353 = vector.shape_cast %add3A_349 : vector<16xi32> to vector<16xi32>
      tpu.vector_store %arg11[%swap3A_350], %swap3A_353 {strides = array<i32>} : memref<64xi32, #tpu.memory_space<vmem>>, vector<16xi32>,
      %get3A_354 = arith.constant 16 : index
      %get3A_355 = tpu.vector_load %arg11[%get3A_354] {strides = array<i32>} : memref<64xi32, #tpu.memory_space<vmem>>, vector<16xi32>,
      %get3A_356 = vector.shape_cast %get3A_355 : vector<16xi32> to vector<16xi32>
      %mul3A_357 = arith.constant 2 : i32
      %mul3A_358 = vector.broadcast %mul3A_357 : i32 to vector<16xi32>
      %mul3A_359 = arith.muli %get3A_356, %mul3A_358 : vector<16xi32>
      %add3A_360 = vector.broadcast %arg0 : i32 to vector<16xi32>
      %add3A_361 = arith.addi %mul3A_359, %add3A_360 : vector<16xi32>
      %swap3A_362 = arith.constant 16 : index
      %swap3A_363 = tpu.vector_load %arg11[%swap3A_362] {strides = array<i32>} : memref<64xi32, #tpu.memory_space<vmem>>, vector<16xi32>,
      %swap3A_364 = vector.shape_cast %swap3A_363 : vector<16xi32> to vector<16xi32>
      %swap3A_365 = vector.shape_cast %add3A_361 : vector<16xi32> to vector<16xi32>
      tpu.vector_store %arg11[%swap3A_362], %swap3A_365 {strides = array<i32>} : memref<64xi32, #tpu.memory_space<vmem>>, vector<16xi32>,
      %get3A_366 = arith.constant 32 : index
      %get3A_367 = tpu.vector_load %arg11[%get3A_366] {strides = array<i32>} : memref<64xi32, #tpu.memory_space<vmem>>, vector<16xi32>,
      %get3A_368 = vector.shape_cast %get3A_367 : vector<16xi32> to vector<16xi32>
      %mul3A_369 = arith.constant 2 : i32
      %mul3A_370 = vector.broadcast %mul3A_369 : i32 to vector<16xi32>
      %mul3A_371 = arith.muli %get3A_368, %mul3A_370 : vector<16xi32>
      %add3A_372 = vector.broadcast %arg0 : i32 to vector<16xi32>
      %add3A_373 = arith.addi %mul3A_371, %add3A_372 : vector<16xi32>
      %swap3A_374 = arith.constant 32 : index
      %swap3A_375 = tpu.vector_load %arg11[%swap3A_374] {strides = array<i32>} : memref<64xi32, #tpu.memory_space<vmem>>, vector<16xi32>,
      %swap3A_376 = vector.shape_cast %swap3A_375 : vector<16xi32> to vector<16xi32>
      %swap3A_377 = vector.shape_cast %add3A_373 : vector<16xi32> to vector<16xi32>
      tpu.vector_store %arg11[%swap3A_374], %swap3A_377 {strides = array<i32>} : memref<64xi32, #tpu.memory_space<vmem>>, vector<16xi32>,
      %get3A_378 = arith.constant 48 : index
      %get3A_379 = tpu.vector_load %arg11[%get3A_378] {strides = array<i32>} : memref<64xi32, #tpu.memory_space<vmem>>, vector<16xi32>,
      %get3A_380 = vector.shape_cast %get3A_379 : vector<16xi32> to vector<16xi32>
      %mul3A_381 = arith.constant 2 : i32
      %mul3A_382 = vector.broadcast %mul3A_381 : i32 to vector<16xi32>
      %mul3A_383 = arith.muli %get3A_380, %mul3A_382 : vector<16xi32>
      %add3A_384 = vector.broadcast %arg0 : i32 to vector<16xi32>
      %add3A_385 = arith.addi %mul3A_383, %add3A_384 : vector<16xi32>
      %swap3A_386 = arith.constant 48 : index
      %swap3A_387 = tpu.vector_load %arg11[%swap3A_386] {strides = array<i32>} : memref<64xi32, #tpu.memory_space<vmem>>, vector<16xi32>,
      %swap3A_388 = vector.shape_cast %swap3A_387 : vector<16xi32> to vector<16xi32>
      %swap3A_389 = vector.shape_cast %add3A_385 : vector<16xi32> to vector<16xi32>
      tpu.vector_store %arg11[%swap3A_386], %swap3A_389 {strides = array<i32>} : memref<64xi32, #tpu.memory_space<vmem>>, vector<16xi32>,
      %dma_start3A_390 = arith.constant 2 : i32
      %dma_start3A_391 = arith.constant 0 : i32
      %dma_start3A_392 = arith.constant 0 : i32
      %dma_start3A_393 = tpu.memref_slice %arg2[%dma_start3A_391, %dma_start3A_392] : memref<20000x128xf32, #tpu.memory_space<hbm>> -> memref<20000x128xf32, #tpu.memory_space<hbm>>
      %dma_start3A_394 = tpu.memref_slice %arg29[%dma_start3A_390] : memref<5x!tpu.dma_semaphore, #tpu.memory_space<semaphore_mem>> -> memref<1x!tpu.dma_semaphore, #tpu.memory_space<semaphore_mem>>
      %dma_start3A_395 = tpu.memref_squeeze %dma_start3A_394 : memref<1x!tpu.dma_semaphore, #tpu.memory_space<semaphore_mem>> -> memref<!tpu.dma_semaphore, #tpu.memory_space<semaphore_mem>>
      tpu.enqueue_indirect_dma source(%dma_start3A_393 : memref<20000x128xf32, #tpu.memory_space<hbm>>) target(%arg21 : memref<64x128xf32, #tpu.memory_space<vmem>>) offsets(%arg11 : memref<64xi32, #tpu.memory_space<vmem>>) semaphore(%dma_start3A_395 : memref<!tpu.dma_semaphore, #tpu.memory_space<semaphore_mem>>)
      %gt3A_396 = arith.constant 0 : i32
      %gt3A_397 = arith.cmpi sgt, %scan3A_136, %gt3A_396 : i32
      %convert_element_type3A_398 = arith.extui %gt3A_397 : i1 to i32
      %cond3A_399 = arith.constant 0 : i32
      %cond3A_400 = arith.cmpi ne, %convert_element_type3A_398, %cond3A_399 : i32
      scf.if %cond3A_400 {
        %dma_wait3A_759 = arith.constant 3 : i32
        %dma_wait3A_760 = arith.constant 0 : i32
        %dma_wait3A_761 = arith.constant 0 : i32
        %dma_wait3A_762 = tpu.memref_slice %arg25[%dma_wait3A_760, %dma_wait3A_761] : memref<10240x128xf32, #tpu.memory_space<vmem_shared>> -> memref<10240x128xf32, #tpu.memory_space<vmem_shared>>
        %dma_wait3A_763 = tpu.memref_slice %arg30[%dma_wait3A_759] : memref<5x!tpu.dma_semaphore, #tpu.memory_space<semaphore_mem>> -> memref<1x!tpu.dma_semaphore, #tpu.memory_space<semaphore_mem>>
        %dma_wait3A_764 = tpu.memref_squeeze %dma_wait3A_763 : memref<1x!tpu.dma_semaphore, #tpu.memory_space<semaphore_mem>> -> memref<!tpu.dma_semaphore, #tpu.memory_space<semaphore_mem>>
        tpu.wait_indirect_dma semaphore(%dma_wait3A_764 : memref<!tpu.dma_semaphore, #tpu.memory_space<semaphore_mem>>) src(%arg22 : memref<64x128xf32, #tpu.memory_space<vmem>>) dst(%dma_wait3A_762 : memref<10240x128xf32, #tpu.memory_space<vmem_shared>>)
        %eq3A_765 = arith.constant 0 : i32
        %eq3A_766 = arith.cmpi eq, %arg0, %eq3A_765 : i32
        %convert_element_type3A_767 = arith.extui %eq3A_766 : i1 to i32
        %cond3A_768 = arith.constant 0 : i32
        %cond3A_769 = arith.cmpi ne, %convert_element_type3A_767, %cond3A_768 : i32
        scf.if %cond3A_769 {
          %dma_wait3A_770 = arith.constant 3 : i32
          %dma_wait3A_771 = arith.constant 0 : i32
          %dma_wait3A_772 = tpu.memref_slice %arg26[%dma_wait3A_771] : memref<10240xf32, #tpu.memory_space<vmem_shared>> -> memref<10240xf32, #tpu.memory_space<vmem_shared>>
          %dma_wait3A_773 = tpu.memref_slice %arg30[%dma_wait3A_770] : memref<5x!tpu.dma_semaphore, #tpu.memory_space<semaphore_mem>> -> memref<1x!tpu.dma_semaphore, #tpu.memory_space<semaphore_mem>>
          %dma_wait3A_774 = tpu.memref_squeeze %dma_wait3A_773 : memref<1x!tpu.dma_semaphore, #tpu.memory_space<semaphore_mem>> -> memref<!tpu.dma_semaphore, #tpu.memory_space<semaphore_mem>>
          tpu.wait_indirect_dma semaphore(%dma_wait3A_774 : memref<!tpu.dma_semaphore, #tpu.memory_space<semaphore_mem>>) src(%arg24 : memref<64xf32, #tpu.memory_space<vmem>>) dst(%dma_wait3A_772 : memref<10240xf32, #tpu.memory_space<vmem_shared>>)
        } else {
        }
      } else {
      }
      %mul3A_401 = arith.constant 10240 : i32
      %mul3A_402 = arith.muli %arg1, %mul3A_401 : i32
      %mul3A_403 = arith.constant 5 : i32
      %mul3A_404 = arith.muli %scan3A_136, %mul3A_403 : i32
      %add3A_405 = arith.constant 3 : i32
      %add3A_406 = arith.addi %mul3A_404, %add3A_405 : i32
      %mul3A_407 = arith.constant 64 : i32
      %mul3A_408 = arith.muli %add3A_406, %mul3A_407 : i32
      %add3A_409 = arith.addi %mul3A_402, %mul3A_408 : i32
      %dma_start3A_410 = arith.constant 3 : i32
      %dma_start3A_411 = tpu.memref_slice %arg4[%add3A_409] : memref<163840xi32, #tpu.memory_space<hbm>> -> memref<64xi32, #tpu.memory_space<hbm>>
      %dma_start3A_412 = tpu.memref_slice %arg28[%dma_start3A_410] : memref<5x!tpu.dma_semaphore, #tpu.memory_space<semaphore_mem>> -> memref<1x!tpu.dma_semaphore, #tpu.memory_space<semaphore_mem>>
      %dma_start3A_413 = tpu.memref_squeeze %dma_start3A_412 : memref<1x!tpu.dma_semaphore, #tpu.memory_space<semaphore_mem>> -> memref<!tpu.dma_semaphore, #tpu.memory_space<semaphore_mem>>
      %dma_start3A_414 = tpu.memref_slice %arg4[%add3A_409] : memref<163840xi32, #tpu.memory_space<hbm>> -> memref<64xi32, #tpu.memory_space<hbm>>
      tpu.enqueue_dma source(%dma_start3A_414 : memref<64xi32, #tpu.memory_space<hbm>>) target(%arg17 : memref<64xi32, #tpu.memory_space<vmem>>) target_semaphore(%dma_start3A_413 : memref<!tpu.dma_semaphore, #tpu.memory_space<semaphore_mem>>)
      %mul3A_415 = arith.constant 10240 : i32
      %mul3A_416 = arith.muli %arg1, %mul3A_415 : i32
      %mul3A_417 = arith.constant 5 : i32
      %mul3A_418 = arith.muli %scan3A_136, %mul3A_417 : i32
      %add3A_419 = arith.constant 3 : i32
      %add3A_420 = arith.addi %mul3A_418, %add3A_419 : i32
      %mul3A_421 = arith.constant 64 : i32
      %mul3A_422 = arith.muli %add3A_420, %mul3A_421 : i32
      %add3A_423 = arith.addi %mul3A_416, %mul3A_422 : i32
      %dma_wait3A_424 = arith.constant 3 : i32
      %dma_wait3A_425 = tpu.memref_slice %arg3[%add3A_423] : memref<163840xi32, #tpu.memory_space<hbm>> -> memref<64xi32, #tpu.memory_space<hbm>>
      %dma_wait3A_426 = tpu.memref_slice %arg27[%dma_wait3A_424] : memref<5x!tpu.dma_semaphore, #tpu.memory_space<semaphore_mem>> -> memref<1x!tpu.dma_semaphore, #tpu.memory_space<semaphore_mem>>
      %dma_wait3A_427 = tpu.memref_squeeze %dma_wait3A_426 : memref<1x!tpu.dma_semaphore, #tpu.memory_space<semaphore_mem>> -> memref<!tpu.dma_semaphore, #tpu.memory_space<semaphore_mem>>
      %dma_wait3A_428 = tpu.memref_slice %arg3[%add3A_423] : memref<163840xi32, #tpu.memory_space<hbm>> -> memref<64xi32, #tpu.memory_space<hbm>>
      tpu.wait_dma2 semaphore(%dma_wait3A_427 : memref<!tpu.dma_semaphore, #tpu.memory_space<semaphore_mem>>) src(%dma_wait3A_428 : memref<64xi32, #tpu.memory_space<hbm>>) dst(%arg12 : memref<64xi32, #tpu.memory_space<vmem>>)
      %get3A_429 = arith.constant 0 : index
      %get3A_430 = tpu.vector_load %arg12[%get3A_429] {strides = array<i32>} : memref<64xi32, #tpu.memory_space<vmem>>, vector<16xi32>,
      %get3A_431 = vector.shape_cast %get3A_430 : vector<16xi32> to vector<16xi32>
      %mul3A_432 = arith.constant 2 : i32
      %mul3A_433 = vector.broadcast %mul3A_432 : i32 to vector<16xi32>
      %mul3A_434 = arith.muli %get3A_431, %mul3A_433 : vector<16xi32>
      %add3A_435 = vector.broadcast %arg0 : i32 to vector<16xi32>
      %add3A_436 = arith.addi %mul3A_434, %add3A_435 : vector<16xi32>
      %swap3A_437 = arith.constant 0 : index
      %swap3A_438 = tpu.vector_load %arg12[%swap3A_437] {strides = array<i32>} : memref<64xi32, #tpu.memory_space<vmem>>, vector<16xi32>,
      %swap3A_439 = vector.shape_cast %swap3A_438 : vector<16xi32> to vector<16xi32>
      %swap3A_440 = vector.shape_cast %add3A_436 : vector<16xi32> to vector<16xi32>
      tpu.vector_store %arg12[%swap3A_437], %swap3A_440 {strides = array<i32>} : memref<64xi32, #tpu.memory_space<vmem>>, vector<16xi32>,
      %get3A_441 = arith.constant 16 : index
      %get3A_442 = tpu.vector_load %arg12[%get3A_441] {strides = array<i32>} : memref<64xi32, #tpu.memory_space<vmem>>, vector<16xi32>,
      %get3A_443 = vector.shape_cast %get3A_442 : vector<16xi32> to vector<16xi32>
      %mul3A_444 = arith.constant 2 : i32
      %mul3A_445 = vector.broadcast %mul3A_444 : i32 to vector<16xi32>
      %mul3A_446 = arith.muli %get3A_443, %mul3A_445 : vector<16xi32>
      %add3A_447 = vector.broadcast %arg0 : i32 to vector<16xi32>
      %add3A_448 = arith.addi %mul3A_446, %add3A_447 : vector<16xi32>
      %swap3A_449 = arith.constant 16 : index
      %swap3A_450 = tpu.vector_load %arg12[%swap3A_449] {strides = array<i32>} : memref<64xi32, #tpu.memory_space<vmem>>, vector<16xi32>,
      %swap3A_451 = vector.shape_cast %swap3A_450 : vector<16xi32> to vector<16xi32>
      %swap3A_452 = vector.shape_cast %add3A_448 : vector<16xi32> to vector<16xi32>
      tpu.vector_store %arg12[%swap3A_449], %swap3A_452 {strides = array<i32>} : memref<64xi32, #tpu.memory_space<vmem>>, vector<16xi32>,
      %get3A_453 = arith.constant 32 : index
      %get3A_454 = tpu.vector_load %arg12[%get3A_453] {strides = array<i32>} : memref<64xi32, #tpu.memory_space<vmem>>, vector<16xi32>,
      %get3A_455 = vector.shape_cast %get3A_454 : vector<16xi32> to vector<16xi32>
      %mul3A_456 = arith.constant 2 : i32
      %mul3A_457 = vector.broadcast %mul3A_456 : i32 to vector<16xi32>
      %mul3A_458 = arith.muli %get3A_455, %mul3A_457 : vector<16xi32>
      %add3A_459 = vector.broadcast %arg0 : i32 to vector<16xi32>
      %add3A_460 = arith.addi %mul3A_458, %add3A_459 : vector<16xi32>
      %swap3A_461 = arith.constant 32 : index
      %swap3A_462 = tpu.vector_load %arg12[%swap3A_461] {strides = array<i32>} : memref<64xi32, #tpu.memory_space<vmem>>, vector<16xi32>,
      %swap3A_463 = vector.shape_cast %swap3A_462 : vector<16xi32> to vector<16xi32>
      %swap3A_464 = vector.shape_cast %add3A_460 : vector<16xi32> to vector<16xi32>
      tpu.vector_store %arg12[%swap3A_461], %swap3A_464 {strides = array<i32>} : memref<64xi32, #tpu.memory_space<vmem>>, vector<16xi32>,
      %get3A_465 = arith.constant 48 : index
      %get3A_466 = tpu.vector_load %arg12[%get3A_465] {strides = array<i32>} : memref<64xi32, #tpu.memory_space<vmem>>, vector<16xi32>,
      %get3A_467 = vector.shape_cast %get3A_466 : vector<16xi32> to vector<16xi32>
      %mul3A_468 = arith.constant 2 : i32
      %mul3A_469 = vector.broadcast %mul3A_468 : i32 to vector<16xi32>
      %mul3A_470 = arith.muli %get3A_467, %mul3A_469 : vector<16xi32>
      %add3A_471 = vector.broadcast %arg0 : i32 to vector<16xi32>
      %add3A_472 = arith.addi %mul3A_470, %add3A_471 : vector<16xi32>
      %swap3A_473 = arith.constant 48 : index
      %swap3A_474 = tpu.vector_load %arg12[%swap3A_473] {strides = array<i32>} : memref<64xi32, #tpu.memory_space<vmem>>, vector<16xi32>,
      %swap3A_475 = vector.shape_cast %swap3A_474 : vector<16xi32> to vector<16xi32>
      %swap3A_476 = vector.shape_cast %add3A_472 : vector<16xi32> to vector<16xi32>
      tpu.vector_store %arg12[%swap3A_473], %swap3A_476 {strides = array<i32>} : memref<64xi32, #tpu.memory_space<vmem>>, vector<16xi32>,
      %dma_start3A_477 = arith.constant 3 : i32
      %dma_start3A_478 = arith.constant 0 : i32
      %dma_start3A_479 = arith.constant 0 : i32
      %dma_start3A_480 = tpu.memref_slice %arg2[%dma_start3A_478, %dma_start3A_479] : memref<20000x128xf32, #tpu.memory_space<hbm>> -> memref<20000x128xf32, #tpu.memory_space<hbm>>
      %dma_start3A_481 = tpu.memref_slice %arg29[%dma_start3A_477] : memref<5x!tpu.dma_semaphore, #tpu.memory_space<semaphore_mem>> -> memref<1x!tpu.dma_semaphore, #tpu.memory_space<semaphore_mem>>
      %dma_start3A_482 = tpu.memref_squeeze %dma_start3A_481 : memref<1x!tpu.dma_semaphore, #tpu.memory_space<semaphore_mem>> -> memref<!tpu.dma_semaphore, #tpu.memory_space<semaphore_mem>>
      tpu.enqueue_indirect_dma source(%dma_start3A_480 : memref<20000x128xf32, #tpu.memory_space<hbm>>) target(%arg22 : memref<64x128xf32, #tpu.memory_space<vmem>>) offsets(%arg12 : memref<64xi32, #tpu.memory_space<vmem>>) semaphore(%dma_start3A_482 : memref<!tpu.dma_semaphore, #tpu.memory_space<semaphore_mem>>)
      %gt3A_483 = arith.constant 0 : i32
      %gt3A_484 = arith.cmpi sgt, %scan3A_136, %gt3A_483 : i32
      %convert_element_type3A_485 = arith.extui %gt3A_484 : i1 to i32
      %cond3A_486 = arith.constant 0 : i32
      %cond3A_487 = arith.cmpi ne, %convert_element_type3A_485, %cond3A_486 : i32
      scf.if %cond3A_487 {
        %dma_wait3A_759 = arith.constant 4 : i32
        %dma_wait3A_760 = arith.constant 0 : i32
        %dma_wait3A_761 = arith.constant 0 : i32
        %dma_wait3A_762 = tpu.memref_slice %arg25[%dma_wait3A_760, %dma_wait3A_761] : memref<10240x128xf32, #tpu.memory_space<vmem_shared>> -> memref<10240x128xf32, #tpu.memory_space<vmem_shared>>
        %dma_wait3A_763 = tpu.memref_slice %arg30[%dma_wait3A_759] : memref<5x!tpu.dma_semaphore, #tpu.memory_space<semaphore_mem>> -> memref<1x!tpu.dma_semaphore, #tpu.memory_space<semaphore_mem>>
        %dma_wait3A_764 = tpu.memref_squeeze %dma_wait3A_763 : memref<1x!tpu.dma_semaphore, #tpu.memory_space<semaphore_mem>> -> memref<!tpu.dma_semaphore, #tpu.memory_space<semaphore_mem>>
        tpu.wait_indirect_dma semaphore(%dma_wait3A_764 : memref<!tpu.dma_semaphore, #tpu.memory_space<semaphore_mem>>) src(%arg23 : memref<64x128xf32, #tpu.memory_space<vmem>>) dst(%dma_wait3A_762 : memref<10240x128xf32, #tpu.memory_space<vmem_shared>>)
        %eq3A_765 = arith.constant 0 : i32
        %eq3A_766 = arith.cmpi eq, %arg0, %eq3A_765 : i32
        %convert_element_type3A_767 = arith.extui %eq3A_766 : i1 to i32
        %cond3A_768 = arith.constant 0 : i32
        %cond3A_769 = arith.cmpi ne, %convert_element_type3A_767, %cond3A_768 : i32
        scf.if %cond3A_769 {
          %dma_wait3A_770 = arith.constant 4 : i32
          %dma_wait3A_771 = arith.constant 0 : i32
          %dma_wait3A_772 = tpu.memref_slice %arg26[%dma_wait3A_771] : memref<10240xf32, #tpu.memory_space<vmem_shared>> -> memref<10240xf32, #tpu.memory_space<vmem_shared>>
          %dma_wait3A_773 = tpu.memref_slice %arg30[%dma_wait3A_770] : memref<5x!tpu.dma_semaphore, #tpu.memory_space<semaphore_mem>> -> memref<1x!tpu.dma_semaphore, #tpu.memory_space<semaphore_mem>>
          %dma_wait3A_774 = tpu.memref_squeeze %dma_wait3A_773 : memref<1x!tpu.dma_semaphore, #tpu.memory_space<semaphore_mem>> -> memref<!tpu.dma_semaphore, #tpu.memory_space<semaphore_mem>>
          tpu.wait_indirect_dma semaphore(%dma_wait3A_774 : memref<!tpu.dma_semaphore, #tpu.memory_space<semaphore_mem>>) src(%arg24 : memref<64xf32, #tpu.memory_space<vmem>>) dst(%dma_wait3A_772 : memref<10240xf32, #tpu.memory_space<vmem_shared>>)
        } else {
        }
      } else {
      }
      %mul3A_488 = arith.constant 10240 : i32
      %mul3A_489 = arith.muli %arg1, %mul3A_488 : i32
      %mul3A_490 = arith.constant 5 : i32
      %mul3A_491 = arith.muli %scan3A_136, %mul3A_490 : i32
      %add3A_492 = arith.constant 4 : i32
      %add3A_493 = arith.addi %mul3A_491, %add3A_492 : i32
      %mul3A_494 = arith.constant 64 : i32
      %mul3A_495 = arith.muli %add3A_493, %mul3A_494 : i32
      %add3A_496 = arith.addi %mul3A_489, %mul3A_495 : i32
      %dma_start3A_497 = arith.constant 4 : i32
      %dma_start3A_498 = tpu.memref_slice %arg4[%add3A_496] : memref<163840xi32, #tpu.memory_space<hbm>> -> memref<64xi32, #tpu.memory_space<hbm>>
      %dma_start3A_499 = tpu.memref_slice %arg28[%dma_start3A_497] : memref<5x!tpu.dma_semaphore, #tpu.memory_space<semaphore_mem>> -> memref<1x!tpu.dma_semaphore, #tpu.memory_space<semaphore_mem>>
      %dma_start3A_500 = tpu.memref_squeeze %dma_start3A_499 : memref<1x!tpu.dma_semaphore, #tpu.memory_space<semaphore_mem>> -> memref<!tpu.dma_semaphore, #tpu.memory_space<semaphore_mem>>
      %dma_start3A_501 = tpu.memref_slice %arg4[%add3A_496] : memref<163840xi32, #tpu.memory_space<hbm>> -> memref<64xi32, #tpu.memory_space<hbm>>
      tpu.enqueue_dma source(%dma_start3A_501 : memref<64xi32, #tpu.memory_space<hbm>>) target(%arg18 : memref<64xi32, #tpu.memory_space<vmem>>) target_semaphore(%dma_start3A_500 : memref<!tpu.dma_semaphore, #tpu.memory_space<semaphore_mem>>)
      %mul3A_502 = arith.constant 10240 : i32
      %mul3A_503 = arith.muli %arg1, %mul3A_502 : i32
      %mul3A_504 = arith.constant 5 : i32
      %mul3A_505 = arith.muli %scan3A_136, %mul3A_504 : i32
      %add3A_506 = arith.constant 4 : i32
      %add3A_507 = arith.addi %mul3A_505, %add3A_506 : i32
      %mul3A_508 = arith.constant 64 : i32
      %mul3A_509 = arith.muli %add3A_507, %mul3A_508 : i32
      %add3A_510 = arith.addi %mul3A_503, %mul3A_509 : i32
      %dma_wait3A_511 = arith.constant 4 : i32
      %dma_wait3A_512 = tpu.memref_slice %arg3[%add3A_510] : memref<163840xi32, #tpu.memory_space<hbm>> -> memref<64xi32, #tpu.memory_space<hbm>>
      %dma_wait3A_513 = tpu.memref_slice %arg27[%dma_wait3A_511] : memref<5x!tpu.dma_semaphore, #tpu.memory_space<semaphore_mem>> -> memref<1x!tpu.dma_semaphore, #tpu.memory_space<semaphore_mem>>
      %dma_wait3A_514 = tpu.memref_squeeze %dma_wait3A_513 : memref<1x!tpu.dma_semaphore, #tpu.memory_space<semaphore_mem>> -> memref<!tpu.dma_semaphore, #tpu.memory_space<semaphore_mem>>
      %dma_wait3A_515 = tpu.memref_slice %arg3[%add3A_510] : memref<163840xi32, #tpu.memory_space<hbm>> -> memref<64xi32, #tpu.memory_space<hbm>>
      tpu.wait_dma2 semaphore(%dma_wait3A_514 : memref<!tpu.dma_semaphore, #tpu.memory_space<semaphore_mem>>) src(%dma_wait3A_515 : memref<64xi32, #tpu.memory_space<hbm>>) dst(%arg13 : memref<64xi32, #tpu.memory_space<vmem>>)
      %get3A_516 = arith.constant 0 : index
      %get3A_517 = tpu.vector_load %arg13[%get3A_516] {strides = array<i32>} : memref<64xi32, #tpu.memory_space<vmem>>, vector<16xi32>,
      %get3A_518 = vector.shape_cast %get3A_517 : vector<16xi32> to vector<16xi32>
      %mul3A_519 = arith.constant 2 : i32
      %mul3A_520 = vector.broadcast %mul3A_519 : i32 to vector<16xi32>
      %mul3A_521 = arith.muli %get3A_518, %mul3A_520 : vector<16xi32>
      %add3A_522 = vector.broadcast %arg0 : i32 to vector<16xi32>
      %add3A_523 = arith.addi %mul3A_521, %add3A_522 : vector<16xi32>
      %swap3A_524 = arith.constant 0 : index
      %swap3A_525 = tpu.vector_load %arg13[%swap3A_524] {strides = array<i32>} : memref<64xi32, #tpu.memory_space<vmem>>, vector<16xi32>,
      %swap3A_526 = vector.shape_cast %swap3A_525 : vector<16xi32> to vector<16xi32>
      %swap3A_527 = vector.shape_cast %add3A_523 : vector<16xi32> to vector<16xi32>
      tpu.vector_store %arg13[%swap3A_524], %swap3A_527 {strides = array<i32>} : memref<64xi32, #tpu.memory_space<vmem>>, vector<16xi32>,
      %get3A_528 = arith.constant 16 : index
      %get3A_529 = tpu.vector_load %arg13[%get3A_528] {strides = array<i32>} : memref<64xi32, #tpu.memory_space<vmem>>, vector<16xi32>,
      %get3A_530 = vector.shape_cast %get3A_529 : vector<16xi32> to vector<16xi32>
      %mul3A_531 = arith.constant 2 : i32
      %mul3A_532 = vector.broadcast %mul3A_531 : i32 to vector<16xi32>
      %mul3A_533 = arith.muli %get3A_530, %mul3A_532 : vector<16xi32>
      %add3A_534 = vector.broadcast %arg0 : i32 to vector<16xi32>
      %add3A_535 = arith.addi %mul3A_533, %add3A_534 : vector<16xi32>
      %swap3A_536 = arith.constant 16 : index
      %swap3A_537 = tpu.vector_load %arg13[%swap3A_536] {strides = array<i32>} : memref<64xi32, #tpu.memory_space<vmem>>, vector<16xi32>,
      %swap3A_538 = vector.shape_cast %swap3A_537 : vector<16xi32> to vector<16xi32>
      %swap3A_539 = vector.shape_cast %add3A_535 : vector<16xi32> to vector<16xi32>
      tpu.vector_store %arg13[%swap3A_536], %swap3A_539 {strides = array<i32>} : memref<64xi32, #tpu.memory_space<vmem>>, vector<16xi32>,
      %get3A_540 = arith.constant 32 : index
      %get3A_541 = tpu.vector_load %arg13[%get3A_540] {strides = array<i32>} : memref<64xi32, #tpu.memory_space<vmem>>, vector<16xi32>,
      %get3A_542 = vector.shape_cast %get3A_541 : vector<16xi32> to vector<16xi32>
      %mul3A_543 = arith.constant 2 : i32
      %mul3A_544 = vector.broadcast %mul3A_543 : i32 to vector<16xi32>
      %mul3A_545 = arith.muli %get3A_542, %mul3A_544 : vector<16xi32>
      %add3A_546 = vector.broadcast %arg0 : i32 to vector<16xi32>
      %add3A_547 = arith.addi %mul3A_545, %add3A_546 : vector<16xi32>
      %swap3A_548 = arith.constant 32 : index
      %swap3A_549 = tpu.vector_load %arg13[%swap3A_548] {strides = array<i32>} : memref<64xi32, #tpu.memory_space<vmem>>, vector<16xi32>,
      %swap3A_550 = vector.shape_cast %swap3A_549 : vector<16xi32> to vector<16xi32>
      %swap3A_551 = vector.shape_cast %add3A_547 : vector<16xi32> to vector<16xi32>
      tpu.vector_store %arg13[%swap3A_548], %swap3A_551 {strides = array<i32>} : memref<64xi32, #tpu.memory_space<vmem>>, vector<16xi32>,
      %get3A_552 = arith.constant 48 : index
      %get3A_553 = tpu.vector_load %arg13[%get3A_552] {strides = array<i32>} : memref<64xi32, #tpu.memory_space<vmem>>, vector<16xi32>,
      %get3A_554 = vector.shape_cast %get3A_553 : vector<16xi32> to vector<16xi32>
      %mul3A_555 = arith.constant 2 : i32
      %mul3A_556 = vector.broadcast %mul3A_555 : i32 to vector<16xi32>
      %mul3A_557 = arith.muli %get3A_554, %mul3A_556 : vector<16xi32>
      %add3A_558 = vector.broadcast %arg0 : i32 to vector<16xi32>
      %add3A_559 = arith.addi %mul3A_557, %add3A_558 : vector<16xi32>
      %swap3A_560 = arith.constant 48 : index
      %swap3A_561 = tpu.vector_load %arg13[%swap3A_560] {strides = array<i32>} : memref<64xi32, #tpu.memory_space<vmem>>, vector<16xi32>,
      %swap3A_562 = vector.shape_cast %swap3A_561 : vector<16xi32> to vector<16xi32>
      %swap3A_563 = vector.shape_cast %add3A_559 : vector<16xi32> to vector<16xi32>
      tpu.vector_store %arg13[%swap3A_560], %swap3A_563 {strides = array<i32>} : memref<64xi32, #tpu.memory_space<vmem>>, vector<16xi32>,
      %dma_start3A_564 = arith.constant 4 : i32
      %dma_start3A_565 = arith.constant 0 : i32
      %dma_start3A_566 = arith.constant 0 : i32
      %dma_start3A_567 = tpu.memref_slice %arg2[%dma_start3A_565, %dma_start3A_566] : memref<20000x128xf32, #tpu.memory_space<hbm>> -> memref<20000x128xf32, #tpu.memory_space<hbm>>
      %dma_start3A_568 = tpu.memref_slice %arg29[%dma_start3A_564] : memref<5x!tpu.dma_semaphore, #tpu.memory_space<semaphore_mem>> -> memref<1x!tpu.dma_semaphore, #tpu.memory_space<semaphore_mem>>
      %dma_start3A_569 = tpu.memref_squeeze %dma_start3A_568 : memref<1x!tpu.dma_semaphore, #tpu.memory_space<semaphore_mem>> -> memref<!tpu.dma_semaphore, #tpu.memory_space<semaphore_mem>>
      tpu.enqueue_indirect_dma source(%dma_start3A_567 : memref<20000x128xf32, #tpu.memory_space<hbm>>) target(%arg23 : memref<64x128xf32, #tpu.memory_space<vmem>>) offsets(%arg13 : memref<64xi32, #tpu.memory_space<vmem>>) semaphore(%dma_start3A_569 : memref<!tpu.dma_semaphore, #tpu.memory_space<semaphore_mem>>)
      %dma_wait3A_570 = arith.constant 0 : i32
      %dma_wait3A_571 = arith.constant 0 : i32
      %dma_wait3A_572 = arith.constant 0 : i32
      %dma_wait3A_573 = tpu.memref_slice %arg2[%dma_wait3A_571, %dma_wait3A_572] : memref<20000x128xf32, #tpu.memory_space<hbm>> -> memref<20000x128xf32, #tpu.memory_space<hbm>>
      %dma_wait3A_574 = tpu.memref_slice %arg29[%dma_wait3A_570] : memref<5x!tpu.dma_semaphore, #tpu.memory_space<semaphore_mem>> -> memref<1x!tpu.dma_semaphore, #tpu.memory_space<semaphore_mem>>
      %dma_wait3A_575 = tpu.memref_squeeze %dma_wait3A_574 : memref<1x!tpu.dma_semaphore, #tpu.memory_space<semaphore_mem>> -> memref<!tpu.dma_semaphore, #tpu.memory_space<semaphore_mem>>
      tpu.wait_indirect_dma semaphore(%dma_wait3A_575 : memref<!tpu.dma_semaphore, #tpu.memory_space<semaphore_mem>>) src(%dma_wait3A_573 : memref<20000x128xf32, #tpu.memory_space<hbm>>) dst(%arg19 : memref<64x128xf32, #tpu.memory_space<vmem>>)
      %add3A_576 = arith.constant 1 : i32
      %add3A_577 = arith.addi %scan3A_136, %add3A_576 : i32
      %lt3A = arith.constant 32 : i32
      %lt3A_578 = arith.cmpi slt, %add3A_577, %lt3A : i32
      %convert_element_type3A_579 = arith.extui %lt3A_578 : i1 to i32
      %cond3A_580 = arith.constant 0 : i32
      %cond3A_581 = arith.cmpi ne, %convert_element_type3A_579, %cond3A_580 : i32
      scf.if %cond3A_581 {
        %add3A_759 = arith.constant 1 : i32
        %add3A_760 = arith.addi %scan3A_136, %add3A_759 : i32
        %mul3A_761 = arith.constant 10240 : i32
        %mul3A_762 = arith.muli %arg1, %mul3A_761 : i32
        %mul3A_763 = arith.constant 5 : i32
        %mul3A_764 = arith.muli %add3A_760, %mul3A_763 : i32
        %add3A_765 = arith.constant 0 : i32
        %add3A_766 = arith.addi %mul3A_764, %add3A_765 : i32
        %mul3A_767 = arith.constant 64 : i32
        %mul3A_768 = arith.muli %add3A_766, %mul3A_767 : i32
        %add3A_769 = arith.addi %mul3A_762, %mul3A_768 : i32
        %dma_start3A_770 = arith.constant 0 : i32
        %dma_start3A_771 = tpu.memref_slice %arg3[%add3A_769] : memref<163840xi32, #tpu.memory_space<hbm>> -> memref<64xi32, #tpu.memory_space<hbm>>
        %dma_start3A_772 = tpu.memref_slice %arg27[%dma_start3A_770] : memref<5x!tpu.dma_semaphore, #tpu.memory_space<semaphore_mem>> -> memref<1x!tpu.dma_semaphore, #tpu.memory_space<semaphore_mem>>
        %dma_start3A_773 = tpu.memref_squeeze %dma_start3A_772 : memref<1x!tpu.dma_semaphore, #tpu.memory_space<semaphore_mem>> -> memref<!tpu.dma_semaphore, #tpu.memory_space<semaphore_mem>>
        %dma_start3A_774 = tpu.memref_slice %arg3[%add3A_769] : memref<163840xi32, #tpu.memory_space<hbm>> -> memref<64xi32, #tpu.memory_space<hbm>>
        tpu.enqueue_dma source(%dma_start3A_774 : memref<64xi32, #tpu.memory_space<hbm>>) target(%arg9 : memref<64xi32, #tpu.memory_space<vmem>>) target_semaphore(%dma_start3A_773 : memref<!tpu.dma_semaphore, #tpu.memory_space<semaphore_mem>>)
      } else {
      }
      %mul3A_582 = arith.constant 10240 : i32
      %mul3A_583 = arith.muli %arg1, %mul3A_582 : i32
      %mul3A_584 = arith.constant 5 : i32
      %mul3A_585 = arith.muli %scan3A_136, %mul3A_584 : i32
      %add3A_586 = arith.constant 0 : i32
      %add3A_587 = arith.addi %mul3A_585, %add3A_586 : i32
      %mul3A_588 = arith.constant 64 : i32
      %mul3A_589 = arith.muli %add3A_587, %mul3A_588 : i32
      %add3A_590 = arith.addi %mul3A_583, %mul3A_589 : i32
      %dma_wait3A_591 = arith.constant 0 : i32
      %dma_wait3A_592 = tpu.memref_slice %arg4[%add3A_590] : memref<163840xi32, #tpu.memory_space<hbm>> -> memref<64xi32, #tpu.memory_space<hbm>>
      %dma_wait3A_593 = tpu.memref_slice %arg28[%dma_wait3A_591] : memref<5x!tpu.dma_semaphore, #tpu.memory_space<semaphore_mem>> -> memref<1x!tpu.dma_semaphore, #tpu.memory_space<semaphore_mem>>
      %dma_wait3A_594 = tpu.memref_squeeze %dma_wait3A_593 : memref<1x!tpu.dma_semaphore, #tpu.memory_space<semaphore_mem>> -> memref<!tpu.dma_semaphore, #tpu.memory_space<semaphore_mem>>
      %dma_wait3A_595 = tpu.memref_slice %arg4[%add3A_590] : memref<163840xi32, #tpu.memory_space<hbm>> -> memref<64xi32, #tpu.memory_space<hbm>>
      tpu.wait_dma2 semaphore(%dma_wait3A_594 : memref<!tpu.dma_semaphore, #tpu.memory_space<semaphore_mem>>) src(%dma_wait3A_595 : memref<64xi32, #tpu.memory_space<hbm>>) dst(%arg14 : memref<64xi32, #tpu.memory_space<vmem>>)
      %dma_start3A_596 = arith.constant 0 : i32
      %dma_start3A_597 = arith.constant 0 : i32
      %dma_start3A_598 = arith.constant 0 : i32
      %dma_start3A_599 = tpu.memref_slice %arg25[%dma_start3A_597, %dma_start3A_598] : memref<10240x128xf32, #tpu.memory_space<vmem_shared>> -> memref<10240x128xf32, #tpu.memory_space<vmem_shared>>
      %dma_start3A_600 = tpu.memref_slice %arg30[%dma_start3A_596] : memref<5x!tpu.dma_semaphore, #tpu.memory_space<semaphore_mem>> -> memref<1x!tpu.dma_semaphore, #tpu.memory_space<semaphore_mem>>
      %dma_start3A_601 = tpu.memref_squeeze %dma_start3A_600 : memref<1x!tpu.dma_semaphore, #tpu.memory_space<semaphore_mem>> -> memref<!tpu.dma_semaphore, #tpu.memory_space<semaphore_mem>>
      tpu.enqueue_indirect_dma source(%arg19 : memref<64x128xf32, #tpu.memory_space<vmem>>) target(%dma_start3A_599 : memref<10240x128xf32, #tpu.memory_space<vmem_shared>>) offsets(%arg14 : memref<64xi32, #tpu.memory_space<vmem>>) semaphore(%dma_start3A_601 : memref<!tpu.dma_semaphore, #tpu.memory_space<semaphore_mem>>) {add = true}
      %eq3A_602 = arith.constant 0 : i32
      %eq3A_603 = arith.cmpi eq, %arg0, %eq3A_602 : i32
      %convert_element_type3A_604 = arith.extui %eq3A_603 : i1 to i32
      %cond3A_605 = arith.constant 0 : i32
      %cond3A_606 = arith.cmpi ne, %convert_element_type3A_604, %cond3A_605 : i32
      scf.if %cond3A_606 {
        %dma_start3A_759 = arith.constant 0 : i32
        %dma_start3A_760 = arith.constant 0 : i32
        %dma_start3A_761 = tpu.memref_slice %arg26[%dma_start3A_760] : memref<10240xf32, #tpu.memory_space<vmem_shared>> -> memref<10240xf32, #tpu.memory_space<vmem_shared>>
        %dma_start3A_762 = tpu.memref_slice %arg30[%dma_start3A_759] : memref<5x!tpu.dma_semaphore, #tpu.memory_space<semaphore_mem>> -> memref<1x!tpu.dma_semaphore, #tpu.memory_space<semaphore_mem>>
        %dma_start3A_763 = tpu.memref_squeeze %dma_start3A_762 : memref<1x!tpu.dma_semaphore, #tpu.memory_space<semaphore_mem>> -> memref<!tpu.dma_semaphore, #tpu.memory_space<semaphore_mem>>
        tpu.enqueue_indirect_dma source(%arg24 : memref<64xf32, #tpu.memory_space<vmem>>) target(%dma_start3A_761 : memref<10240xf32, #tpu.memory_space<vmem_shared>>) offsets(%arg14 : memref<64xi32, #tpu.memory_space<vmem>>) semaphore(%dma_start3A_763 : memref<!tpu.dma_semaphore, #tpu.memory_space<semaphore_mem>>) {add = true}
      } else {
      }
      %dma_wait3A_607 = arith.constant 1 : i32
      %dma_wait3A_608 = arith.constant 0 : i32
      %dma_wait3A_609 = arith.constant 0 : i32
      %dma_wait3A_610 = tpu.memref_slice %arg2[%dma_wait3A_608, %dma_wait3A_609] : memref<20000x128xf32, #tpu.memory_space<hbm>> -> memref<20000x128xf32, #tpu.memory_space<hbm>>
      %dma_wait3A_611 = tpu.memref_slice %arg29[%dma_wait3A_607] : memref<5x!tpu.dma_semaphore, #tpu.memory_space<semaphore_mem>> -> memref<1x!tpu.dma_semaphore, #tpu.memory_space<semaphore_mem>>
      %dma_wait3A_612 = tpu.memref_squeeze %dma_wait3A_611 : memref<1x!tpu.dma_semaphore, #tpu.memory_space<semaphore_mem>> -> memref<!tpu.dma_semaphore, #tpu.memory_space<semaphore_mem>>
      tpu.wait_indirect_dma semaphore(%dma_wait3A_612 : memref<!tpu.dma_semaphore, #tpu.memory_space<semaphore_mem>>) src(%dma_wait3A_610 : memref<20000x128xf32, #tpu.memory_space<hbm>>) dst(%arg20 : memref<64x128xf32, #tpu.memory_space<vmem>>)
      %add3A_613 = arith.constant 1 : i32
      %add3A_614 = arith.addi %scan3A_136, %add3A_613 : i32
      %lt3A_615 = arith.constant 32 : i32
      %lt3A_616 = arith.cmpi slt, %add3A_614, %lt3A_615 : i32
      %convert_element_type3A_617 = arith.extui %lt3A_616 : i1 to i32
      %cond3A_618 = arith.constant 0 : i32
      %cond3A_619 = arith.cmpi ne, %convert_element_type3A_617, %cond3A_618 : i32
      scf.if %cond3A_619 {
        %add3A_759 = arith.constant 1 : i32
        %add3A_760 = arith.addi %scan3A_136, %add3A_759 : i32
        %mul3A_761 = arith.constant 10240 : i32
        %mul3A_762 = arith.muli %arg1, %mul3A_761 : i32
        %mul3A_763 = arith.constant 5 : i32
        %mul3A_764 = arith.muli %add3A_760, %mul3A_763 : i32
        %add3A_765 = arith.constant 1 : i32
        %add3A_766 = arith.addi %mul3A_764, %add3A_765 : i32
        %mul3A_767 = arith.constant 64 : i32
        %mul3A_768 = arith.muli %add3A_766, %mul3A_767 : i32
        %add3A_769 = arith.addi %mul3A_762, %mul3A_768 : i32
        %dma_start3A_770 = arith.constant 1 : i32
        %dma_start3A_771 = tpu.memref_slice %arg3[%add3A_769] : memref<163840xi32, #tpu.memory_space<hbm>> -> memref<64xi32, #tpu.memory_space<hbm>>
        %dma_start3A_772 = tpu.memref_slice %arg27[%dma_start3A_770] : memref<5x!tpu.dma_semaphore, #tpu.memory_space<semaphore_mem>> -> memref<1x!tpu.dma_semaphore, #tpu.memory_space<semaphore_mem>>
        %dma_start3A_773 = tpu.memref_squeeze %dma_start3A_772 : memref<1x!tpu.dma_semaphore, #tpu.memory_space<semaphore_mem>> -> memref<!tpu.dma_semaphore, #tpu.memory_space<semaphore_mem>>
        %dma_start3A_774 = tpu.memref_slice %arg3[%add3A_769] : memref<163840xi32, #tpu.memory_space<hbm>> -> memref<64xi32, #tpu.memory_space<hbm>>
        tpu.enqueue_dma source(%dma_start3A_774 : memref<64xi32, #tpu.memory_space<hbm>>) target(%arg10 : memref<64xi32, #tpu.memory_space<vmem>>) target_semaphore(%dma_start3A_773 : memref<!tpu.dma_semaphore, #tpu.memory_space<semaphore_mem>>)
      } else {
      }
      %mul3A_620 = arith.constant 10240 : i32
      %mul3A_621 = arith.muli %arg1, %mul3A_620 : i32
      %mul3A_622 = arith.constant 5 : i32
      %mul3A_623 = arith.muli %scan3A_136, %mul3A_622 : i32
      %add3A_624 = arith.constant 1 : i32
      %add3A_625 = arith.addi %mul3A_623, %add3A_624 : i32
      %mul3A_626 = arith.constant 64 : i32
      %mul3A_627 = arith.muli %add3A_625, %mul3A_626 : i32
      %add3A_628 = arith.addi %mul3A_621, %mul3A_627 : i32
      %dma_wait3A_629 = arith.constant 1 : i32
      %dma_wait3A_630 = tpu.memref_slice %arg4[%add3A_628] : memref<163840xi32, #tpu.memory_space<hbm>> -> memref<64xi32, #tpu.memory_space<hbm>>
      %dma_wait3A_631 = tpu.memref_slice %arg28[%dma_wait3A_629] : memref<5x!tpu.dma_semaphore, #tpu.memory_space<semaphore_mem>> -> memref<1x!tpu.dma_semaphore, #tpu.memory_space<semaphore_mem>>
      %dma_wait3A_632 = tpu.memref_squeeze %dma_wait3A_631 : memref<1x!tpu.dma_semaphore, #tpu.memory_space<semaphore_mem>> -> memref<!tpu.dma_semaphore, #tpu.memory_space<semaphore_mem>>
      %dma_wait3A_633 = tpu.memref_slice %arg4[%add3A_628] : memref<163840xi32, #tpu.memory_space<hbm>> -> memref<64xi32, #tpu.memory_space<hbm>>
      tpu.wait_dma2 semaphore(%dma_wait3A_632 : memref<!tpu.dma_semaphore, #tpu.memory_space<semaphore_mem>>) src(%dma_wait3A_633 : memref<64xi32, #tpu.memory_space<hbm>>) dst(%arg15 : memref<64xi32, #tpu.memory_space<vmem>>)
      %dma_start3A_634 = arith.constant 1 : i32
      %dma_start3A_635 = arith.constant 0 : i32
      %dma_start3A_636 = arith.constant 0 : i32
      %dma_start3A_637 = tpu.memref_slice %arg25[%dma_start3A_635, %dma_start3A_636] : memref<10240x128xf32, #tpu.memory_space<vmem_shared>> -> memref<10240x128xf32, #tpu.memory_space<vmem_shared>>
      %dma_start3A_638 = tpu.memref_slice %arg30[%dma_start3A_634] : memref<5x!tpu.dma_semaphore, #tpu.memory_space<semaphore_mem>> -> memref<1x!tpu.dma_semaphore, #tpu.memory_space<semaphore_mem>>
      %dma_start3A_639 = tpu.memref_squeeze %dma_start3A_638 : memref<1x!tpu.dma_semaphore, #tpu.memory_space<semaphore_mem>> -> memref<!tpu.dma_semaphore, #tpu.memory_space<semaphore_mem>>
      tpu.enqueue_indirect_dma source(%arg20 : memref<64x128xf32, #tpu.memory_space<vmem>>) target(%dma_start3A_637 : memref<10240x128xf32, #tpu.memory_space<vmem_shared>>) offsets(%arg15 : memref<64xi32, #tpu.memory_space<vmem>>) semaphore(%dma_start3A_639 : memref<!tpu.dma_semaphore, #tpu.memory_space<semaphore_mem>>) {add = true}
      %eq3A_640 = arith.constant 0 : i32
      %eq3A_641 = arith.cmpi eq, %arg0, %eq3A_640 : i32
      %convert_element_type3A_642 = arith.extui %eq3A_641 : i1 to i32
      %cond3A_643 = arith.constant 0 : i32
      %cond3A_644 = arith.cmpi ne, %convert_element_type3A_642, %cond3A_643 : i32
      scf.if %cond3A_644 {
        %dma_start3A_759 = arith.constant 1 : i32
        %dma_start3A_760 = arith.constant 0 : i32
        %dma_start3A_761 = tpu.memref_slice %arg26[%dma_start3A_760] : memref<10240xf32, #tpu.memory_space<vmem_shared>> -> memref<10240xf32, #tpu.memory_space<vmem_shared>>
        %dma_start3A_762 = tpu.memref_slice %arg30[%dma_start3A_759] : memref<5x!tpu.dma_semaphore, #tpu.memory_space<semaphore_mem>> -> memref<1x!tpu.dma_semaphore, #tpu.memory_space<semaphore_mem>>
        %dma_start3A_763 = tpu.memref_squeeze %dma_start3A_762 : memref<1x!tpu.dma_semaphore, #tpu.memory_space<semaphore_mem>> -> memref<!tpu.dma_semaphore, #tpu.memory_space<semaphore_mem>>
        tpu.enqueue_indirect_dma source(%arg24 : memref<64xf32, #tpu.memory_space<vmem>>) target(%dma_start3A_761 : memref<10240xf32, #tpu.memory_space<vmem_shared>>) offsets(%arg15 : memref<64xi32, #tpu.memory_space<vmem>>) semaphore(%dma_start3A_763 : memref<!tpu.dma_semaphore, #tpu.memory_space<semaphore_mem>>) {add = true}
      } else {
      }
      %dma_wait3A_645 = arith.constant 2 : i32
      %dma_wait3A_646 = arith.constant 0 : i32
      %dma_wait3A_647 = arith.constant 0 : i32
      %dma_wait3A_648 = tpu.memref_slice %arg2[%dma_wait3A_646, %dma_wait3A_647] : memref<20000x128xf32, #tpu.memory_space<hbm>> -> memref<20000x128xf32, #tpu.memory_space<hbm>>
      %dma_wait3A_649 = tpu.memref_slice %arg29[%dma_wait3A_645] : memref<5x!tpu.dma_semaphore, #tpu.memory_space<semaphore_mem>> -> memref<1x!tpu.dma_semaphore, #tpu.memory_space<semaphore_mem>>
      %dma_wait3A_650 = tpu.memref_squeeze %dma_wait3A_649 : memref<1x!tpu.dma_semaphore, #tpu.memory_space<semaphore_mem>> -> memref<!tpu.dma_semaphore, #tpu.memory_space<semaphore_mem>>
      tpu.wait_indirect_dma semaphore(%dma_wait3A_650 : memref<!tpu.dma_semaphore, #tpu.memory_space<semaphore_mem>>) src(%dma_wait3A_648 : memref<20000x128xf32, #tpu.memory_space<hbm>>) dst(%arg21 : memref<64x128xf32, #tpu.memory_space<vmem>>)
      %add3A_651 = arith.constant 1 : i32
      %add3A_652 = arith.addi %scan3A_136, %add3A_651 : i32
      %lt3A_653 = arith.constant 32 : i32
      %lt3A_654 = arith.cmpi slt, %add3A_652, %lt3A_653 : i32
      %convert_element_type3A_655 = arith.extui %lt3A_654 : i1 to i32
      %cond3A_656 = arith.constant 0 : i32
      %cond3A_657 = arith.cmpi ne, %convert_element_type3A_655, %cond3A_656 : i32
      scf.if %cond3A_657 {
        %add3A_759 = arith.constant 1 : i32
        %add3A_760 = arith.addi %scan3A_136, %add3A_759 : i32
        %mul3A_761 = arith.constant 10240 : i32
        %mul3A_762 = arith.muli %arg1, %mul3A_761 : i32
        %mul3A_763 = arith.constant 5 : i32
        %mul3A_764 = arith.muli %add3A_760, %mul3A_763 : i32
        %add3A_765 = arith.constant 2 : i32
        %add3A_766 = arith.addi %mul3A_764, %add3A_765 : i32
        %mul3A_767 = arith.constant 64 : i32
        %mul3A_768 = arith.muli %add3A_766, %mul3A_767 : i32
        %add3A_769 = arith.addi %mul3A_762, %mul3A_768 : i32
        %dma_start3A_770 = arith.constant 2 : i32
        %dma_start3A_771 = tpu.memref_slice %arg3[%add3A_769] : memref<163840xi32, #tpu.memory_space<hbm>> -> memref<64xi32, #tpu.memory_space<hbm>>
        %dma_start3A_772 = tpu.memref_slice %arg27[%dma_start3A_770] : memref<5x!tpu.dma_semaphore, #tpu.memory_space<semaphore_mem>> -> memref<1x!tpu.dma_semaphore, #tpu.memory_space<semaphore_mem>>
        %dma_start3A_773 = tpu.memref_squeeze %dma_start3A_772 : memref<1x!tpu.dma_semaphore, #tpu.memory_space<semaphore_mem>> -> memref<!tpu.dma_semaphore, #tpu.memory_space<semaphore_mem>>
        %dma_start3A_774 = tpu.memref_slice %arg3[%add3A_769] : memref<163840xi32, #tpu.memory_space<hbm>> -> memref<64xi32, #tpu.memory_space<hbm>>
        tpu.enqueue_dma source(%dma_start3A_774 : memref<64xi32, #tpu.memory_space<hbm>>) target(%arg11 : memref<64xi32, #tpu.memory_space<vmem>>) target_semaphore(%dma_start3A_773 : memref<!tpu.dma_semaphore, #tpu.memory_space<semaphore_mem>>)
      } else {
      }
      %mul3A_658 = arith.constant 10240 : i32
      %mul3A_659 = arith.muli %arg1, %mul3A_658 : i32
      %mul3A_660 = arith.constant 5 : i32
      %mul3A_661 = arith.muli %scan3A_136, %mul3A_660 : i32
      %add3A_662 = arith.constant 2 : i32
      %add3A_663 = arith.addi %mul3A_661, %add3A_662 : i32
      %mul3A_664 = arith.constant 64 : i32
      %mul3A_665 = arith.muli %add3A_663, %mul3A_664 : i32
      %add3A_666 = arith.addi %mul3A_659, %mul3A_665 : i32
      %dma_wait3A_667 = arith.constant 2 : i32
      %dma_wait3A_668 = tpu.memref_slice %arg4[%add3A_666] : memref<163840xi32, #tpu.memory_space<hbm>> -> memref<64xi32, #tpu.memory_space<hbm>>
      %dma_wait3A_669 = tpu.memref_slice %arg28[%dma_wait3A_667] : memref<5x!tpu.dma_semaphore, #tpu.memory_space<semaphore_mem>> -> memref<1x!tpu.dma_semaphore, #tpu.memory_space<semaphore_mem>>
      %dma_wait3A_670 = tpu.memref_squeeze %dma_wait3A_669 : memref<1x!tpu.dma_semaphore, #tpu.memory_space<semaphore_mem>> -> memref<!tpu.dma_semaphore, #tpu.memory_space<semaphore_mem>>
      %dma_wait3A_671 = tpu.memref_slice %arg4[%add3A_666] : memref<163840xi32, #tpu.memory_space<hbm>> -> memref<64xi32, #tpu.memory_space<hbm>>
      tpu.wait_dma2 semaphore(%dma_wait3A_670 : memref<!tpu.dma_semaphore, #tpu.memory_space<semaphore_mem>>) src(%dma_wait3A_671 : memref<64xi32, #tpu.memory_space<hbm>>) dst(%arg16 : memref<64xi32, #tpu.memory_space<vmem>>)
      %dma_start3A_672 = arith.constant 2 : i32
      %dma_start3A_673 = arith.constant 0 : i32
      %dma_start3A_674 = arith.constant 0 : i32
      %dma_start3A_675 = tpu.memref_slice %arg25[%dma_start3A_673, %dma_start3A_674] : memref<10240x128xf32, #tpu.memory_space<vmem_shared>> -> memref<10240x128xf32, #tpu.memory_space<vmem_shared>>
      %dma_start3A_676 = tpu.memref_slice %arg30[%dma_start3A_672] : memref<5x!tpu.dma_semaphore, #tpu.memory_space<semaphore_mem>> -> memref<1x!tpu.dma_semaphore, #tpu.memory_space<semaphore_mem>>
      %dma_start3A_677 = tpu.memref_squeeze %dma_start3A_676 : memref<1x!tpu.dma_semaphore, #tpu.memory_space<semaphore_mem>> -> memref<!tpu.dma_semaphore, #tpu.memory_space<semaphore_mem>>
      tpu.enqueue_indirect_dma source(%arg21 : memref<64x128xf32, #tpu.memory_space<vmem>>) target(%dma_start3A_675 : memref<10240x128xf32, #tpu.memory_space<vmem_shared>>) offsets(%arg16 : memref<64xi32, #tpu.memory_space<vmem>>) semaphore(%dma_start3A_677 : memref<!tpu.dma_semaphore, #tpu.memory_space<semaphore_mem>>) {add = true}
      %eq3A_678 = arith.constant 0 : i32
      %eq3A_679 = arith.cmpi eq, %arg0, %eq3A_678 : i32
      %convert_element_type3A_680 = arith.extui %eq3A_679 : i1 to i32
      %cond3A_681 = arith.constant 0 : i32
      %cond3A_682 = arith.cmpi ne, %convert_element_type3A_680, %cond3A_681 : i32
      scf.if %cond3A_682 {
        %dma_start3A_759 = arith.constant 2 : i32
        %dma_start3A_760 = arith.constant 0 : i32
        %dma_start3A_761 = tpu.memref_slice %arg26[%dma_start3A_760] : memref<10240xf32, #tpu.memory_space<vmem_shared>> -> memref<10240xf32, #tpu.memory_space<vmem_shared>>
        %dma_start3A_762 = tpu.memref_slice %arg30[%dma_start3A_759] : memref<5x!tpu.dma_semaphore, #tpu.memory_space<semaphore_mem>> -> memref<1x!tpu.dma_semaphore, #tpu.memory_space<semaphore_mem>>
        %dma_start3A_763 = tpu.memref_squeeze %dma_start3A_762 : memref<1x!tpu.dma_semaphore, #tpu.memory_space<semaphore_mem>> -> memref<!tpu.dma_semaphore, #tpu.memory_space<semaphore_mem>>
        tpu.enqueue_indirect_dma source(%arg24 : memref<64xf32, #tpu.memory_space<vmem>>) target(%dma_start3A_761 : memref<10240xf32, #tpu.memory_space<vmem_shared>>) offsets(%arg16 : memref<64xi32, #tpu.memory_space<vmem>>) semaphore(%dma_start3A_763 : memref<!tpu.dma_semaphore, #tpu.memory_space<semaphore_mem>>) {add = true}
      } else {
      }
      %dma_wait3A_683 = arith.constant 3 : i32
      %dma_wait3A_684 = arith.constant 0 : i32
      %dma_wait3A_685 = arith.constant 0 : i32
      %dma_wait3A_686 = tpu.memref_slice %arg2[%dma_wait3A_684, %dma_wait3A_685] : memref<20000x128xf32, #tpu.memory_space<hbm>> -> memref<20000x128xf32, #tpu.memory_space<hbm>>
      %dma_wait3A_687 = tpu.memref_slice %arg29[%dma_wait3A_683] : memref<5x!tpu.dma_semaphore, #tpu.memory_space<semaphore_mem>> -> memref<1x!tpu.dma_semaphore, #tpu.memory_space<semaphore_mem>>
      %dma_wait3A_688 = tpu.memref_squeeze %dma_wait3A_687 : memref<1x!tpu.dma_semaphore, #tpu.memory_space<semaphore_mem>> -> memref<!tpu.dma_semaphore, #tpu.memory_space<semaphore_mem>>
      tpu.wait_indirect_dma semaphore(%dma_wait3A_688 : memref<!tpu.dma_semaphore, #tpu.memory_space<semaphore_mem>>) src(%dma_wait3A_686 : memref<20000x128xf32, #tpu.memory_space<hbm>>) dst(%arg22 : memref<64x128xf32, #tpu.memory_space<vmem>>)
      %add3A_689 = arith.constant 1 : i32
      %add3A_690 = arith.addi %scan3A_136, %add3A_689 : i32
      %lt3A_691 = arith.constant 32 : i32
      %lt3A_692 = arith.cmpi slt, %add3A_690, %lt3A_691 : i32
      %convert_element_type3A_693 = arith.extui %lt3A_692 : i1 to i32
      %cond3A_694 = arith.constant 0 : i32
      %cond3A_695 = arith.cmpi ne, %convert_element_type3A_693, %cond3A_694 : i32
      scf.if %cond3A_695 {
        %add3A_759 = arith.constant 1 : i32
        %add3A_760 = arith.addi %scan3A_136, %add3A_759 : i32
        %mul3A_761 = arith.constant 10240 : i32
        %mul3A_762 = arith.muli %arg1, %mul3A_761 : i32
        %mul3A_763 = arith.constant 5 : i32
        %mul3A_764 = arith.muli %add3A_760, %mul3A_763 : i32
        %add3A_765 = arith.constant 3 : i32
        %add3A_766 = arith.addi %mul3A_764, %add3A_765 : i32
        %mul3A_767 = arith.constant 64 : i32
        %mul3A_768 = arith.muli %add3A_766, %mul3A_767 : i32
        %add3A_769 = arith.addi %mul3A_762, %mul3A_768 : i32
        %dma_start3A_770 = arith.constant 3 : i32
        %dma_start3A_771 = tpu.memref_slice %arg3[%add3A_769] : memref<163840xi32, #tpu.memory_space<hbm>> -> memref<64xi32, #tpu.memory_space<hbm>>
        %dma_start3A_772 = tpu.memref_slice %arg27[%dma_start3A_770] : memref<5x!tpu.dma_semaphore, #tpu.memory_space<semaphore_mem>> -> memref<1x!tpu.dma_semaphore, #tpu.memory_space<semaphore_mem>>
        %dma_start3A_773 = tpu.memref_squeeze %dma_start3A_772 : memref<1x!tpu.dma_semaphore, #tpu.memory_space<semaphore_mem>> -> memref<!tpu.dma_semaphore, #tpu.memory_space<semaphore_mem>>
        %dma_start3A_774 = tpu.memref_slice %arg3[%add3A_769] : memref<163840xi32, #tpu.memory_space<hbm>> -> memref<64xi32, #tpu.memory_space<hbm>>
        tpu.enqueue_dma source(%dma_start3A_774 : memref<64xi32, #tpu.memory_space<hbm>>) target(%arg12 : memref<64xi32, #tpu.memory_space<vmem>>) target_semaphore(%dma_start3A_773 : memref<!tpu.dma_semaphore, #tpu.memory_space<semaphore_mem>>)
      } else {
      }
      %mul3A_696 = arith.constant 10240 : i32
      %mul3A_697 = arith.muli %arg1, %mul3A_696 : i32
      %mul3A_698 = arith.constant 5 : i32
      %mul3A_699 = arith.muli %scan3A_136, %mul3A_698 : i32
      %add3A_700 = arith.constant 3 : i32
      %add3A_701 = arith.addi %mul3A_699, %add3A_700 : i32
      %mul3A_702 = arith.constant 64 : i32
      %mul3A_703 = arith.muli %add3A_701, %mul3A_702 : i32
      %add3A_704 = arith.addi %mul3A_697, %mul3A_703 : i32
      %dma_wait3A_705 = arith.constant 3 : i32
      %dma_wait3A_706 = tpu.memref_slice %arg4[%add3A_704] : memref<163840xi32, #tpu.memory_space<hbm>> -> memref<64xi32, #tpu.memory_space<hbm>>
      %dma_wait3A_707 = tpu.memref_slice %arg28[%dma_wait3A_705] : memref<5x!tpu.dma_semaphore, #tpu.memory_space<semaphore_mem>> -> memref<1x!tpu.dma_semaphore, #tpu.memory_space<semaphore_mem>>
      %dma_wait3A_708 = tpu.memref_squeeze %dma_wait3A_707 : memref<1x!tpu.dma_semaphore, #tpu.memory_space<semaphore_mem>> -> memref<!tpu.dma_semaphore, #tpu.memory_space<semaphore_mem>>
      %dma_wait3A_709 = tpu.memref_slice %arg4[%add3A_704] : memref<163840xi32, #tpu.memory_space<hbm>> -> memref<64xi32, #tpu.memory_space<hbm>>
      tpu.wait_dma2 semaphore(%dma_wait3A_708 : memref<!tpu.dma_semaphore, #tpu.memory_space<semaphore_mem>>) src(%dma_wait3A_709 : memref<64xi32, #tpu.memory_space<hbm>>) dst(%arg17 : memref<64xi32, #tpu.memory_space<vmem>>)
      %dma_start3A_710 = arith.constant 3 : i32
      %dma_start3A_711 = arith.constant 0 : i32
      %dma_start3A_712 = arith.constant 0 : i32
      %dma_start3A_713 = tpu.memref_slice %arg25[%dma_start3A_711, %dma_start3A_712] : memref<10240x128xf32, #tpu.memory_space<vmem_shared>> -> memref<10240x128xf32, #tpu.memory_space<vmem_shared>>
      %dma_start3A_714 = tpu.memref_slice %arg30[%dma_start3A_710] : memref<5x!tpu.dma_semaphore, #tpu.memory_space<semaphore_mem>> -> memref<1x!tpu.dma_semaphore, #tpu.memory_space<semaphore_mem>>
      %dma_start3A_715 = tpu.memref_squeeze %dma_start3A_714 : memref<1x!tpu.dma_semaphore, #tpu.memory_space<semaphore_mem>> -> memref<!tpu.dma_semaphore, #tpu.memory_space<semaphore_mem>>
      tpu.enqueue_indirect_dma source(%arg22 : memref<64x128xf32, #tpu.memory_space<vmem>>) target(%dma_start3A_713 : memref<10240x128xf32, #tpu.memory_space<vmem_shared>>) offsets(%arg17 : memref<64xi32, #tpu.memory_space<vmem>>) semaphore(%dma_start3A_715 : memref<!tpu.dma_semaphore, #tpu.memory_space<semaphore_mem>>) {add = true}
      %eq3A_716 = arith.constant 0 : i32
      %eq3A_717 = arith.cmpi eq, %arg0, %eq3A_716 : i32
      %convert_element_type3A_718 = arith.extui %eq3A_717 : i1 to i32
      %cond3A_719 = arith.constant 0 : i32
      %cond3A_720 = arith.cmpi ne, %convert_element_type3A_718, %cond3A_719 : i32
      scf.if %cond3A_720 {
        %dma_start3A_759 = arith.constant 3 : i32
        %dma_start3A_760 = arith.constant 0 : i32
        %dma_start3A_761 = tpu.memref_slice %arg26[%dma_start3A_760] : memref<10240xf32, #tpu.memory_space<vmem_shared>> -> memref<10240xf32, #tpu.memory_space<vmem_shared>>
        %dma_start3A_762 = tpu.memref_slice %arg30[%dma_start3A_759] : memref<5x!tpu.dma_semaphore, #tpu.memory_space<semaphore_mem>> -> memref<1x!tpu.dma_semaphore, #tpu.memory_space<semaphore_mem>>
        %dma_start3A_763 = tpu.memref_squeeze %dma_start3A_762 : memref<1x!tpu.dma_semaphore, #tpu.memory_space<semaphore_mem>> -> memref<!tpu.dma_semaphore, #tpu.memory_space<semaphore_mem>>
        tpu.enqueue_indirect_dma source(%arg24 : memref<64xf32, #tpu.memory_space<vmem>>) target(%dma_start3A_761 : memref<10240xf32, #tpu.memory_space<vmem_shared>>) offsets(%arg17 : memref<64xi32, #tpu.memory_space<vmem>>) semaphore(%dma_start3A_763 : memref<!tpu.dma_semaphore, #tpu.memory_space<semaphore_mem>>) {add = true}
      } else {
      }
      %dma_wait3A_721 = arith.constant 4 : i32
      %dma_wait3A_722 = arith.constant 0 : i32
      %dma_wait3A_723 = arith.constant 0 : i32
      %dma_wait3A_724 = tpu.memref_slice %arg2[%dma_wait3A_722, %dma_wait3A_723] : memref<20000x128xf32, #tpu.memory_space<hbm>> -> memref<20000x128xf32, #tpu.memory_space<hbm>>
      %dma_wait3A_725 = tpu.memref_slice %arg29[%dma_wait3A_721] : memref<5x!tpu.dma_semaphore, #tpu.memory_space<semaphore_mem>> -> memref<1x!tpu.dma_semaphore, #tpu.memory_space<semaphore_mem>>
      %dma_wait3A_726 = tpu.memref_squeeze %dma_wait3A_725 : memref<1x!tpu.dma_semaphore, #tpu.memory_space<semaphore_mem>> -> memref<!tpu.dma_semaphore, #tpu.memory_space<semaphore_mem>>
      tpu.wait_indirect_dma semaphore(%dma_wait3A_726 : memref<!tpu.dma_semaphore, #tpu.memory_space<semaphore_mem>>) src(%dma_wait3A_724 : memref<20000x128xf32, #tpu.memory_space<hbm>>) dst(%arg23 : memref<64x128xf32, #tpu.memory_space<vmem>>)
      %add3A_727 = arith.constant 1 : i32
      %add3A_728 = arith.addi %scan3A_136, %add3A_727 : i32
      %lt3A_729 = arith.constant 32 : i32
      %lt3A_730 = arith.cmpi slt, %add3A_728, %lt3A_729 : i32
      %convert_element_type3A_731 = arith.extui %lt3A_730 : i1 to i32
      %cond3A_732 = arith.constant 0 : i32
      %cond3A_733 = arith.cmpi ne, %convert_element_type3A_731, %cond3A_732 : i32
      scf.if %cond3A_733 {
        %add3A_759 = arith.constant 1 : i32
        %add3A_760 = arith.addi %scan3A_136, %add3A_759 : i32
        %mul3A_761 = arith.constant 10240 : i32
        %mul3A_762 = arith.muli %arg1, %mul3A_761 : i32
        %mul3A_763 = arith.constant 5 : i32
        %mul3A_764 = arith.muli %add3A_760, %mul3A_763 : i32
        %add3A_765 = arith.constant 4 : i32
        %add3A_766 = arith.addi %mul3A_764, %add3A_765 : i32
        %mul3A_767 = arith.constant 64 : i32
        %mul3A_768 = arith.muli %add3A_766, %mul3A_767 : i32
        %add3A_769 = arith.addi %mul3A_762, %mul3A_768 : i32
        %dma_start3A_770 = arith.constant 4 : i32
        %dma_start3A_771 = tpu.memref_slice %arg3[%add3A_769] : memref<163840xi32, #tpu.memory_space<hbm>> -> memref<64xi32, #tpu.memory_space<hbm>>
        %dma_start3A_772 = tpu.memref_slice %arg27[%dma_start3A_770] : memref<5x!tpu.dma_semaphore, #tpu.memory_space<semaphore_mem>> -> memref<1x!tpu.dma_semaphore, #tpu.memory_space<semaphore_mem>>
        %dma_start3A_773 = tpu.memref_squeeze %dma_start3A_772 : memref<1x!tpu.dma_semaphore, #tpu.memory_space<semaphore_mem>> -> memref<!tpu.dma_semaphore, #tpu.memory_space<semaphore_mem>>
        %dma_start3A_774 = tpu.memref_slice %arg3[%add3A_769] : memref<163840xi32, #tpu.memory_space<hbm>> -> memref<64xi32, #tpu.memory_space<hbm>>
        tpu.enqueue_dma source(%dma_start3A_774 : memref<64xi32, #tpu.memory_space<hbm>>) target(%arg13 : memref<64xi32, #tpu.memory_space<vmem>>) target_semaphore(%dma_start3A_773 : memref<!tpu.dma_semaphore, #tpu.memory_space<semaphore_mem>>)
      } else {
      }
      %mul3A_734 = arith.constant 10240 : i32
      %mul3A_735 = arith.muli %arg1, %mul3A_734 : i32
      %mul3A_736 = arith.constant 5 : i32
      %mul3A_737 = arith.muli %scan3A_136, %mul3A_736 : i32
      %add3A_738 = arith.constant 4 : i32
      %add3A_739 = arith.addi %mul3A_737, %add3A_738 : i32
      %mul3A_740 = arith.constant 64 : i32
      %mul3A_741 = arith.muli %add3A_739, %mul3A_740 : i32
      %add3A_742 = arith.addi %mul3A_735, %mul3A_741 : i32
      %dma_wait3A_743 = arith.constant 4 : i32
      %dma_wait3A_744 = tpu.memref_slice %arg4[%add3A_742] : memref<163840xi32, #tpu.memory_space<hbm>> -> memref<64xi32, #tpu.memory_space<hbm>>
      %dma_wait3A_745 = tpu.memref_slice %arg28[%dma_wait3A_743] : memref<5x!tpu.dma_semaphore, #tpu.memory_space<semaphore_mem>> -> memref<1x!tpu.dma_semaphore, #tpu.memory_space<semaphore_mem>>
      %dma_wait3A_746 = tpu.memref_squeeze %dma_wait3A_745 : memref<1x!tpu.dma_semaphore, #tpu.memory_space<semaphore_mem>> -> memref<!tpu.dma_semaphore, #tpu.memory_space<semaphore_mem>>
      %dma_wait3A_747 = tpu.memref_slice %arg4[%add3A_742] : memref<163840xi32, #tpu.memory_space<hbm>> -> memref<64xi32, #tpu.memory_space<hbm>>
      tpu.wait_dma2 semaphore(%dma_wait3A_746 : memref<!tpu.dma_semaphore, #tpu.memory_space<semaphore_mem>>) src(%dma_wait3A_747 : memref<64xi32, #tpu.memory_space<hbm>>) dst(%arg18 : memref<64xi32, #tpu.memory_space<vmem>>)
      %dma_start3A_748 = arith.constant 4 : i32
      %dma_start3A_749 = arith.constant 0 : i32
      %dma_start3A_750 = arith.constant 0 : i32
      %dma_start3A_751 = tpu.memref_slice %arg25[%dma_start3A_749, %dma_start3A_750] : memref<10240x128xf32, #tpu.memory_space<vmem_shared>> -> memref<10240x128xf32, #tpu.memory_space<vmem_shared>>
      %dma_start3A_752 = tpu.memref_slice %arg30[%dma_start3A_748] : memref<5x!tpu.dma_semaphore, #tpu.memory_space<semaphore_mem>> -> memref<1x!tpu.dma_semaphore, #tpu.memory_space<semaphore_mem>>
      %dma_start3A_753 = tpu.memref_squeeze %dma_start3A_752 : memref<1x!tpu.dma_semaphore, #tpu.memory_space<semaphore_mem>> -> memref<!tpu.dma_semaphore, #tpu.memory_space<semaphore_mem>>
      tpu.enqueue_indirect_dma source(%arg23 : memref<64x128xf32, #tpu.memory_space<vmem>>) target(%dma_start3A_751 : memref<10240x128xf32, #tpu.memory_space<vmem_shared>>) offsets(%arg18 : memref<64xi32, #tpu.memory_space<vmem>>) semaphore(%dma_start3A_753 : memref<!tpu.dma_semaphore, #tpu.memory_space<semaphore_mem>>) {add = true}
      %eq3A_754 = arith.constant 0 : i32
      %eq3A_755 = arith.cmpi eq, %arg0, %eq3A_754 : i32
      %convert_element_type3A_756 = arith.extui %eq3A_755 : i1 to i32
      %cond3A_757 = arith.constant 0 : i32
      %cond3A_758 = arith.cmpi ne, %convert_element_type3A_756, %cond3A_757 : i32
      scf.if %cond3A_758 {
        %dma_start3A_759 = arith.constant 4 : i32
        %dma_start3A_760 = arith.constant 0 : i32
        %dma_start3A_761 = tpu.memref_slice %arg26[%dma_start3A_760] : memref<10240xf32, #tpu.memory_space<vmem_shared>> -> memref<10240xf32, #tpu.memory_space<vmem_shared>>
        %dma_start3A_762 = tpu.memref_slice %arg30[%dma_start3A_759] : memref<5x!tpu.dma_semaphore, #tpu.memory_space<semaphore_mem>> -> memref<1x!tpu.dma_semaphore, #tpu.memory_space<semaphore_mem>>
        %dma_start3A_763 = tpu.memref_squeeze %dma_start3A_762 : memref<1x!tpu.dma_semaphore, #tpu.memory_space<semaphore_mem>> -> memref<!tpu.dma_semaphore, #tpu.memory_space<semaphore_mem>>
        tpu.enqueue_indirect_dma source(%arg24 : memref<64xf32, #tpu.memory_space<vmem>>) target(%dma_start3A_761 : memref<10240xf32, #tpu.memory_space<vmem_shared>>) offsets(%arg18 : memref<64xi32, #tpu.memory_space<vmem>>) semaphore(%dma_start3A_763 : memref<!tpu.dma_semaphore, #tpu.memory_space<semaphore_mem>>) {add = true}
      } else {
      }
    }
    %scan3A_71 = arith.constant 32 : i32
    %dma_wait3A = arith.constant 0 : i32
    %dma_wait3A_72 = arith.constant 0 : i32
    %dma_wait3A_73 = arith.constant 0 : i32
    %dma_wait3A_74 = tpu.memref_slice %arg25[%dma_wait3A_72, %dma_wait3A_73] : memref<10240x128xf32, #tpu.memory_space<vmem_shared>> -> memref<10240x128xf32, #tpu.memory_space<vmem_shared>>
    %dma_wait3A_75 = tpu.memref_slice %arg30[%dma_wait3A] : memref<5x!tpu.dma_semaphore, #tpu.memory_space<semaphore_mem>> -> memref<1x!tpu.dma_semaphore, #tpu.memory_space<semaphore_mem>>
    %dma_wait3A_76 = tpu.memref_squeeze %dma_wait3A_75 : memref<1x!tpu.dma_semaphore, #tpu.memory_space<semaphore_mem>> -> memref<!tpu.dma_semaphore, #tpu.memory_space<semaphore_mem>>
    tpu.wait_indirect_dma semaphore(%dma_wait3A_76 : memref<!tpu.dma_semaphore, #tpu.memory_space<semaphore_mem>>) src(%arg19 : memref<64x128xf32, #tpu.memory_space<vmem>>) dst(%dma_wait3A_74 : memref<10240x128xf32, #tpu.memory_space<vmem_shared>>)
    %eq3A_77 = arith.constant 0 : i32
    %eq3A_78 = arith.cmpi eq, %arg0, %eq3A_77 : i32
    %convert_element_type3A_79 = arith.extui %eq3A_78 : i1 to i32
    %cond3A_80 = arith.constant 0 : i32
    %cond3A_81 = arith.cmpi ne, %convert_element_type3A_79, %cond3A_80 : i32
    scf.if %cond3A_81 {
      %dma_wait3A_136 = arith.constant 0 : i32
      %dma_wait3A_137 = arith.constant 0 : i32
      %dma_wait3A_138 = tpu.memref_slice %arg26[%dma_wait3A_137] : memref<10240xf32, #tpu.memory_space<vmem_shared>> -> memref<10240xf32, #tpu.memory_space<vmem_shared>>
      %dma_wait3A_139 = tpu.memref_slice %arg30[%dma_wait3A_136] : memref<5x!tpu.dma_semaphore, #tpu.memory_space<semaphore_mem>> -> memref<1x!tpu.dma_semaphore, #tpu.memory_space<semaphore_mem>>
      %dma_wait3A_140 = tpu.memref_squeeze %dma_wait3A_139 : memref<1x!tpu.dma_semaphore, #tpu.memory_space<semaphore_mem>> -> memref<!tpu.dma_semaphore, #tpu.memory_space<semaphore_mem>>
      tpu.wait_indirect_dma semaphore(%dma_wait3A_140 : memref<!tpu.dma_semaphore, #tpu.memory_space<semaphore_mem>>) src(%arg24 : memref<64xf32, #tpu.memory_space<vmem>>) dst(%dma_wait3A_138 : memref<10240xf32, #tpu.memory_space<vmem_shared>>)
    } else {
    }
    %dma_wait3A_82 = arith.constant 1 : i32
    %dma_wait3A_83 = arith.constant 0 : i32
    %dma_wait3A_84 = arith.constant 0 : i32
    %dma_wait3A_85 = tpu.memref_slice %arg25[%dma_wait3A_83, %dma_wait3A_84] : memref<10240x128xf32, #tpu.memory_space<vmem_shared>> -> memref<10240x128xf32, #tpu.memory_space<vmem_shared>>
    %dma_wait3A_86 = tpu.memref_slice %arg30[%dma_wait3A_82] : memref<5x!tpu.dma_semaphore, #tpu.memory_space<semaphore_mem>> -> memref<1x!tpu.dma_semaphore, #tpu.memory_space<semaphore_mem>>
    %dma_wait3A_87 = tpu.memref_squeeze %dma_wait3A_86 : memref<1x!tpu.dma_semaphore, #tpu.memory_space<semaphore_mem>> -> memref<!tpu.dma_semaphore, #tpu.memory_space<semaphore_mem>>
    tpu.wait_indirect_dma semaphore(%dma_wait3A_87 : memref<!tpu.dma_semaphore, #tpu.memory_space<semaphore_mem>>) src(%arg20 : memref<64x128xf32, #tpu.memory_space<vmem>>) dst(%dma_wait3A_85 : memref<10240x128xf32, #tpu.memory_space<vmem_shared>>)
    %eq3A_88 = arith.constant 0 : i32
    %eq3A_89 = arith.cmpi eq, %arg0, %eq3A_88 : i32
    %convert_element_type3A_90 = arith.extui %eq3A_89 : i1 to i32
    %cond3A_91 = arith.constant 0 : i32
    %cond3A_92 = arith.cmpi ne, %convert_element_type3A_90, %cond3A_91 : i32
    scf.if %cond3A_92 {
      %dma_wait3A_136 = arith.constant 1 : i32
      %dma_wait3A_137 = arith.constant 0 : i32
      %dma_wait3A_138 = tpu.memref_slice %arg26[%dma_wait3A_137] : memref<10240xf32, #tpu.memory_space<vmem_shared>> -> memref<10240xf32, #tpu.memory_space<vmem_shared>>
      %dma_wait3A_139 = tpu.memref_slice %arg30[%dma_wait3A_136] : memref<5x!tpu.dma_semaphore, #tpu.memory_space<semaphore_mem>> -> memref<1x!tpu.dma_semaphore, #tpu.memory_space<semaphore_mem>>
      %dma_wait3A_140 = tpu.memref_squeeze %dma_wait3A_139 : memref<1x!tpu.dma_semaphore, #tpu.memory_space<semaphore_mem>> -> memref<!tpu.dma_semaphore, #tpu.memory_space<semaphore_mem>>
      tpu.wait_indirect_dma semaphore(%dma_wait3A_140 : memref<!tpu.dma_semaphore, #tpu.memory_space<semaphore_mem>>) src(%arg24 : memref<64xf32, #tpu.memory_space<vmem>>) dst(%dma_wait3A_138 : memref<10240xf32, #tpu.memory_space<vmem_shared>>)
    } else {
    }
    %dma_wait3A_93 = arith.constant 2 : i32
    %dma_wait3A_94 = arith.constant 0 : i32
    %dma_wait3A_95 = arith.constant 0 : i32
    %dma_wait3A_96 = tpu.memref_slice %arg25[%dma_wait3A_94, %dma_wait3A_95] : memref<10240x128xf32, #tpu.memory_space<vmem_shared>> -> memref<10240x128xf32, #tpu.memory_space<vmem_shared>>
    %dma_wait3A_97 = tpu.memref_slice %arg30[%dma_wait3A_93] : memref<5x!tpu.dma_semaphore, #tpu.memory_space<semaphore_mem>> -> memref<1x!tpu.dma_semaphore, #tpu.memory_space<semaphore_mem>>
    %dma_wait3A_98 = tpu.memref_squeeze %dma_wait3A_97 : memref<1x!tpu.dma_semaphore, #tpu.memory_space<semaphore_mem>> -> memref<!tpu.dma_semaphore, #tpu.memory_space<semaphore_mem>>
    tpu.wait_indirect_dma semaphore(%dma_wait3A_98 : memref<!tpu.dma_semaphore, #tpu.memory_space<semaphore_mem>>) src(%arg21 : memref<64x128xf32, #tpu.memory_space<vmem>>) dst(%dma_wait3A_96 : memref<10240x128xf32, #tpu.memory_space<vmem_shared>>)
    %eq3A_99 = arith.constant 0 : i32
    %eq3A_100 = arith.cmpi eq, %arg0, %eq3A_99 : i32
    %convert_element_type3A_101 = arith.extui %eq3A_100 : i1 to i32
    %cond3A_102 = arith.constant 0 : i32
    %cond3A_103 = arith.cmpi ne, %convert_element_type3A_101, %cond3A_102 : i32
    scf.if %cond3A_103 {
      %dma_wait3A_136 = arith.constant 2 : i32
      %dma_wait3A_137 = arith.constant 0 : i32
      %dma_wait3A_138 = tpu.memref_slice %arg26[%dma_wait3A_137] : memref<10240xf32, #tpu.memory_space<vmem_shared>> -> memref<10240xf32, #tpu.memory_space<vmem_shared>>
      %dma_wait3A_139 = tpu.memref_slice %arg30[%dma_wait3A_136] : memref<5x!tpu.dma_semaphore, #tpu.memory_space<semaphore_mem>> -> memref<1x!tpu.dma_semaphore, #tpu.memory_space<semaphore_mem>>
      %dma_wait3A_140 = tpu.memref_squeeze %dma_wait3A_139 : memref<1x!tpu.dma_semaphore, #tpu.memory_space<semaphore_mem>> -> memref<!tpu.dma_semaphore, #tpu.memory_space<semaphore_mem>>
      tpu.wait_indirect_dma semaphore(%dma_wait3A_140 : memref<!tpu.dma_semaphore, #tpu.memory_space<semaphore_mem>>) src(%arg24 : memref<64xf32, #tpu.memory_space<vmem>>) dst(%dma_wait3A_138 : memref<10240xf32, #tpu.memory_space<vmem_shared>>)
    } else {
    }
    %dma_wait3A_104 = arith.constant 3 : i32
    %dma_wait3A_105 = arith.constant 0 : i32
    %dma_wait3A_106 = arith.constant 0 : i32
    %dma_wait3A_107 = tpu.memref_slice %arg25[%dma_wait3A_105, %dma_wait3A_106] : memref<10240x128xf32, #tpu.memory_space<vmem_shared>> -> memref<10240x128xf32, #tpu.memory_space<vmem_shared>>
    %dma_wait3A_108 = tpu.memref_slice %arg30[%dma_wait3A_104] : memref<5x!tpu.dma_semaphore, #tpu.memory_space<semaphore_mem>> -> memref<1x!tpu.dma_semaphore, #tpu.memory_space<semaphore_mem>>
    %dma_wait3A_109 = tpu.memref_squeeze %dma_wait3A_108 : memref<1x!tpu.dma_semaphore, #tpu.memory_space<semaphore_mem>> -> memref<!tpu.dma_semaphore, #tpu.memory_space<semaphore_mem>>
    tpu.wait_indirect_dma semaphore(%dma_wait3A_109 : memref<!tpu.dma_semaphore, #tpu.memory_space<semaphore_mem>>) src(%arg22 : memref<64x128xf32, #tpu.memory_space<vmem>>) dst(%dma_wait3A_107 : memref<10240x128xf32, #tpu.memory_space<vmem_shared>>)
    %eq3A_110 = arith.constant 0 : i32
    %eq3A_111 = arith.cmpi eq, %arg0, %eq3A_110 : i32
    %convert_element_type3A_112 = arith.extui %eq3A_111 : i1 to i32
    %cond3A_113 = arith.constant 0 : i32
    %cond3A_114 = arith.cmpi ne, %convert_element_type3A_112, %cond3A_113 : i32
    scf.if %cond3A_114 {
      %dma_wait3A_136 = arith.constant 3 : i32
      %dma_wait3A_137 = arith.constant 0 : i32
      %dma_wait3A_138 = tpu.memref_slice %arg26[%dma_wait3A_137] : memref<10240xf32, #tpu.memory_space<vmem_shared>> -> memref<10240xf32, #tpu.memory_space<vmem_shared>>
      %dma_wait3A_139 = tpu.memref_slice %arg30[%dma_wait3A_136] : memref<5x!tpu.dma_semaphore, #tpu.memory_space<semaphore_mem>> -> memref<1x!tpu.dma_semaphore, #tpu.memory_space<semaphore_mem>>
      %dma_wait3A_140 = tpu.memref_squeeze %dma_wait3A_139 : memref<1x!tpu.dma_semaphore, #tpu.memory_space<semaphore_mem>> -> memref<!tpu.dma_semaphore, #tpu.memory_space<semaphore_mem>>
      tpu.wait_indirect_dma semaphore(%dma_wait3A_140 : memref<!tpu.dma_semaphore, #tpu.memory_space<semaphore_mem>>) src(%arg24 : memref<64xf32, #tpu.memory_space<vmem>>) dst(%dma_wait3A_138 : memref<10240xf32, #tpu.memory_space<vmem_shared>>)
    } else {
    }
    %dma_wait3A_115 = arith.constant 4 : i32
    %dma_wait3A_116 = arith.constant 0 : i32
    %dma_wait3A_117 = arith.constant 0 : i32
    %dma_wait3A_118 = tpu.memref_slice %arg25[%dma_wait3A_116, %dma_wait3A_117] : memref<10240x128xf32, #tpu.memory_space<vmem_shared>> -> memref<10240x128xf32, #tpu.memory_space<vmem_shared>>
    %dma_wait3A_119 = tpu.memref_slice %arg30[%dma_wait3A_115] : memref<5x!tpu.dma_semaphore, #tpu.memory_space<semaphore_mem>> -> memref<1x!tpu.dma_semaphore, #tpu.memory_space<semaphore_mem>>
    %dma_wait3A_120 = tpu.memref_squeeze %dma_wait3A_119 : memref<1x!tpu.dma_semaphore, #tpu.memory_space<semaphore_mem>> -> memref<!tpu.dma_semaphore, #tpu.memory_space<semaphore_mem>>
    tpu.wait_indirect_dma semaphore(%dma_wait3A_120 : memref<!tpu.dma_semaphore, #tpu.memory_space<semaphore_mem>>) src(%arg23 : memref<64x128xf32, #tpu.memory_space<vmem>>) dst(%dma_wait3A_118 : memref<10240x128xf32, #tpu.memory_space<vmem_shared>>)
    %eq3A_121 = arith.constant 0 : i32
    %eq3A_122 = arith.cmpi eq, %arg0, %eq3A_121 : i32
    %convert_element_type3A_123 = arith.extui %eq3A_122 : i1 to i32
    %cond3A_124 = arith.constant 0 : i32
    %cond3A_125 = arith.cmpi ne, %convert_element_type3A_123, %cond3A_124 : i32
    scf.if %cond3A_125 {
      %dma_wait3A_136 = arith.constant 4 : i32
      %dma_wait3A_137 = arith.constant 0 : i32
      %dma_wait3A_138 = tpu.memref_slice %arg26[%dma_wait3A_137] : memref<10240xf32, #tpu.memory_space<vmem_shared>> -> memref<10240xf32, #tpu.memory_space<vmem_shared>>
      %dma_wait3A_139 = tpu.memref_slice %arg30[%dma_wait3A_136] : memref<5x!tpu.dma_semaphore, #tpu.memory_space<semaphore_mem>> -> memref<1x!tpu.dma_semaphore, #tpu.memory_space<semaphore_mem>>
      %dma_wait3A_140 = tpu.memref_squeeze %dma_wait3A_139 : memref<1x!tpu.dma_semaphore, #tpu.memory_space<semaphore_mem>> -> memref<!tpu.dma_semaphore, #tpu.memory_space<semaphore_mem>>
      tpu.wait_indirect_dma semaphore(%dma_wait3A_140 : memref<!tpu.dma_semaphore, #tpu.memory_space<semaphore_mem>>) src(%arg24 : memref<64xf32, #tpu.memory_space<vmem>>) dst(%dma_wait3A_138 : memref<10240xf32, #tpu.memory_space<vmem_shared>>)
    } else {
    }
    %barrier3A_126 = arith.constant 0 : index
    tpu.barrier barrier_id(%barrier3A_126)
    %mul3A_127 = arith.constant 640 : i32
    %mul3A_128 = arith.muli %arg1, %mul3A_127 : i32
    %mul3A_129 = arith.constant 640 : i32
    %mul3A_130 = arith.muli %arg1, %mul3A_129 : i32
    "tpu.region"() ({
      %run_scoped3A = tpu.sem_alloc : memref<!tpu.dma_semaphore, #tpu.memory_space<semaphore_mem>>
      %dma_start3A_136 = arith.constant 0 : i32
      %dma_start3A_137 = tpu.memref_slice %arg7[%arg0, %mul3A_130, %dma_start3A_136] : memref<2x10240x128xf32, #tpu.memory_space<hbm>> -> memref<1x640x128xf32, #tpu.memory_space<hbm>>
      %dma_start3A_138 = tpu.memref_squeeze %dma_start3A_137 : memref<1x640x128xf32, #tpu.memory_space<hbm>> -> memref<640x128xf32, #tpu.memory_space<hbm>>
      %dma_start3A_139 = arith.constant 0 : i32
      %dma_start3A_140 = tpu.memref_slice %arg25[%mul3A_128, %dma_start3A_139] : memref<10240x128xf32, #tpu.memory_space<vmem_shared>> -> memref<640x128xf32, #tpu.memory_space<vmem_shared>>
      tpu.enqueue_dma source(%dma_start3A_140 : memref<640x128xf32, #tpu.memory_space<vmem_shared>>) target(%dma_start3A_138 : memref<640x128xf32, #tpu.memory_space<hbm>>) target_semaphore(%run_scoped3A : memref<!tpu.dma_semaphore, #tpu.memory_space<semaphore_mem>>)
      %dma_wait3A_141 = arith.constant 0 : i32
      %dma_wait3A_142 = tpu.memref_slice %arg7[%arg0, %mul3A_130, %dma_wait3A_141] : memref<2x10240x128xf32, #tpu.memory_space<hbm>> -> memref<1x640x128xf32, #tpu.memory_space<hbm>>
      %dma_wait3A_143 = tpu.memref_squeeze %dma_wait3A_142 : memref<1x640x128xf32, #tpu.memory_space<hbm>> -> memref<640x128xf32, #tpu.memory_space<hbm>>
      %dma_wait3A_144 = arith.constant 0 : i32
      %dma_wait3A_145 = tpu.memref_slice %arg25[%mul3A_128, %dma_wait3A_144] : memref<10240x128xf32, #tpu.memory_space<vmem_shared>> -> memref<640x128xf32, #tpu.memory_space<vmem_shared>>
      tpu.wait_dma2 semaphore(%run_scoped3A : memref<!tpu.dma_semaphore, #tpu.memory_space<semaphore_mem>>) src(%dma_wait3A_145 : memref<640x128xf32, #tpu.memory_space<vmem_shared>>) dst(%dma_wait3A_143 : memref<640x128xf32, #tpu.memory_space<hbm>>)
      tpu.yield
    }) : () -> ()
    %eq3A_131 = arith.constant 0 : i32
    %eq3A_132 = arith.cmpi eq, %arg0, %eq3A_131 : i32
    %convert_element_type3A_133 = arith.extui %eq3A_132 : i1 to i32
    %cond3A_134 = arith.constant 0 : i32
    %cond3A_135 = arith.cmpi ne, %convert_element_type3A_133, %cond3A_134 : i32
    scf.if %cond3A_135 {
      %mul3A_136 = arith.constant 640 : i32
      %mul3A_137 = arith.muli %arg1, %mul3A_136 : i32
      %mul3A_138 = arith.constant 640 : i32
      %mul3A_139 = arith.muli %arg1, %mul3A_138 : i32
      "tpu.region"() ({
        %run_scoped3A = tpu.sem_alloc : memref<!tpu.dma_semaphore, #tpu.memory_space<semaphore_mem>>
        %dma_start3A_140 = tpu.memref_slice %arg8[%mul3A_139] : memref<10240xf32, #tpu.memory_space<hbm>> -> memref<640xf32, #tpu.memory_space<hbm>>
        %dma_start3A_141 = tpu.memref_slice %arg26[%mul3A_137] : memref<10240xf32, #tpu.memory_space<vmem_shared>> -> memref<640xf32, #tpu.memory_space<vmem_shared>>
        tpu.enqueue_dma source(%dma_start3A_141 : memref<640xf32, #tpu.memory_space<vmem_shared>>) target(%dma_start3A_140 : memref<640xf32, #tpu.memory_space<hbm>>) target_semaphore(%run_scoped3A : memref<!tpu.dma_semaphore, #tpu.memory_space<semaphore_mem>>)
        %dma_wait3A_142 = tpu.memref_slice %arg8[%mul3A_139] : memref<10240xf32, #tpu.memory_space<hbm>> -> memref<640xf32, #tpu.memory_space<hbm>>
        %dma_wait3A_143 = tpu.memref_slice %arg26[%mul3A_137] : memref<10240xf32, #tpu.memory_space<vmem_shared>> -> memref<640xf32, #tpu.memory_space<vmem_shared>>
        tpu.wait_dma2 semaphore(%run_scoped3A : memref<!tpu.dma_semaphore, #tpu.memory_space<semaphore_mem>>) src(%dma_wait3A_143 : memref<640xf32, #tpu.memory_space<vmem_shared>>) dst(%dma_wait3A_142 : memref<640xf32, #tpu.memory_space<hbm>>)
        tpu.yield
      }) : () -> ()
    } else {
    }
    return
  }
}

module attributes {stable_mosaic.version = 14 : i64} {
  func.func @_root_body(%arg0: i32, %arg1: memref<1000x256xf32, #tpu.memory_space<vmem>>, %arg2: memref<256x256xf32, #tpu.memory_space<vmem>>, %arg3: memref<1000x256xf32, #tpu.memory_space<vmem>>) attributes {dimension_semantics = [#tpu.dimension_semantics<arbitrary>], iteration_bounds = array<i64: 10>, scalar_prefetch = 0 : i64, scratch_operands = 0 : i64, tpu.core_type = #tpu.core_type<tc>, window_params = [{transform_indices = @transform_0, window_bounds = array<i64: 1000, 256>}, {pipeline_mode = #tpu.pipeline_mode<synchronous>, transform_indices = @transform_1, window_bounds = array<i64: 256, 256>}, {transform_indices = @transform_2, window_bounds = array<i64: 1000, 256>}]} {
    %get3A = arith.constant 0 : index
    %get3A_0 = arith.constant 0 : index
    %get3A_1 = vector.load %arg1[%get3A, %get3A_0] : memref<1000x256xf32, #tpu.memory_space<vmem>>, vector<1000x256xf32>
    %get3A_2 = arith.constant 0 : index
    %get3A_3 = arith.constant 0 : index
    %get3A_4 = vector.load %arg2[%get3A_2, %get3A_3] : memref<256x256xf32, #tpu.memory_space<vmem>>, vector<256x256xf32>
    %dot_general3A = arith.constant dense<0.000000e+00> : vector<1000x256xf32>
    %dot_general3A_5 = tpu.matmul %get3A_1, %get3A_4, %dot_general3A {dimension_numbers = #tpu.dot_dimension_numbers<[1], [1], [0], [0], [0, 0, 1, 0], [], []>, transpose_lhs_hint = false} : vector<1000x256xf32>, vector<256x256xf32>, vector<1000x256xf32> -> vector<1000x256xf32>
    %swap3A = arith.constant 0 : index
    %swap3A_6 = arith.constant 0 : index
    %swap3A_7 = vector.load %arg3[%swap3A, %swap3A_6] : memref<1000x256xf32, #tpu.memory_space<vmem>>, vector<1000x256xf32>
    tpu.vector_store %arg3[%swap3A, %swap3A_6], %dot_general3A_5 {strides = array<i32>} : memref<1000x256xf32, #tpu.memory_space<vmem>>, vector<1000x256xf32>,
    return
  }
  func.func @transform_0(%arg0: i32) -> (i32, i32) {
    %c0_i32 = arith.constant 0 : i32
    %c0_i32_0 = arith.constant 0 : i32
    return %arg0, %c0_i32 : i32, i32
  }
  func.func @transform_1(%arg0: i32) -> (i32, i32) {
    %c0_i32 = arith.constant 0 : i32
    %c0_i32_0 = arith.constant 0 : i32
    %c0_i32_1 = arith.constant 0 : i32
    return %c0_i32, %c0_i32_0 : i32, i32
  }
  func.func @transform_2(%arg0: i32) -> (i32, i32) {
    %c0_i32 = arith.constant 0 : i32
    %c0_i32_0 = arith.constant 0 : i32
    return %arg0, %c0_i32 : i32, i32
  }
}

module attributes {stable_mosaic.version = 14 : i64} {
  func.func @_dense_body(%arg0: i32, %arg1: memref<1000x256xf32, #tpu.memory_space<vmem>>, %arg2: memref<2x1000x128xf32, #tpu.memory_space<vmem>>, %arg3: memref<1000x1xf32, #tpu.memory_space<vmem>>, %arg4: memref<256x128xf32, #tpu.memory_space<vmem>>, %arg5: memref<256x128xf32, #tpu.memory_space<vmem>>, %arg6: memref<1x256xf32, #tpu.memory_space<vmem>>, %arg7: memref<1x256xf32, #tpu.memory_space<vmem>>, %arg8: memref<1x256xf32, #tpu.memory_space<vmem>>, %arg9: memref<128x256xf32, #tpu.memory_space<vmem>>, %arg10: memref<1x128xf32, #tpu.memory_space<vmem>>, %arg11: memref<64x128xf32, #tpu.memory_space<vmem>>, %arg12: memref<1x64xf32, #tpu.memory_space<vmem>>, %arg13: memref<64x256xf32, #tpu.memory_space<vmem>>, %arg14: memref<1x64xf32, #tpu.memory_space<vmem>>, %arg15: memref<1000x64xf32, #tpu.memory_space<vmem>>, %arg16: memref<1000x64xf32, #tpu.memory_space<vmem>>) attributes {dimension_semantics = [#tpu.dimension_semantics<arbitrary>], iteration_bounds = array<i64: 10>, scalar_prefetch = 0 : i64, scratch_operands = 0 : i64, tpu.core_type = #tpu.core_type<tc>, window_params = [{transform_indices = @transform_0, window_bounds = array<i64: 1000, 256>}, {transform_indices = @transform_1, window_bounds = array<i64: 2, 1000, 128>}, {transform_indices = @transform_2, window_bounds = array<i64: 1000, 1>}, {pipeline_mode = #tpu.pipeline_mode<synchronous>, transform_indices = @transform_3, window_bounds = array<i64: 256, 128>}, {pipeline_mode = #tpu.pipeline_mode<synchronous>, transform_indices = @transform_4, window_bounds = array<i64: 256, 128>}, {pipeline_mode = #tpu.pipeline_mode<synchronous>, transform_indices = @transform_5, window_bounds = array<i64: 1, 256>}, {pipeline_mode = #tpu.pipeline_mode<synchronous>, transform_indices = @transform_6, window_bounds = array<i64: 1, 256>}, {pipeline_mode = #tpu.pipeline_mode<synchronous>, transform_indices = @transform_7, window_bounds = array<i64: 1, 256>}, {pipeline_mode = #tpu.pipeline_mode<synchronous>, transform_indices = @transform_8, window_bounds = array<i64: 128, 256>}, {pipeline_mode = #tpu.pipeline_mode<synchronous>, transform_indices = @transform_9, window_bounds = array<i64: 1, 128>}, {pipeline_mode = #tpu.pipeline_mode<synchronous>, transform_indices = @transform_10, window_bounds = array<i64: 64, 128>}, {pipeline_mode = #tpu.pipeline_mode<synchronous>, transform_indices = @transform_11, window_bounds = array<i64: 1, 64>}, {pipeline_mode = #tpu.pipeline_mode<synchronous>, transform_indices = @transform_12, window_bounds = array<i64: 64, 256>}, {pipeline_mode = #tpu.pipeline_mode<synchronous>, transform_indices = @transform_13, window_bounds = array<i64: 1, 64>}, {transform_indices = @transform_14, window_bounds = array<i64: 1000, 64>}, {transform_indices = @transform_15, window_bounds = array<i64: 1000, 64>}]} {
    %get3A = arith.constant 0 : index
    %get3A_0 = arith.constant 0 : index
    %get3A_1 = vector.load %arg3[%get3A, %get3A_0] : memref<1000x1xf32, #tpu.memory_space<vmem>>, vector<1000x1xf32>
    %max3A = arith.constant 1.000000e+00 : f32
    %max3A_2 = vector.broadcast %max3A : f32 to vector<1000x1xf32>
    %max3A_3 = arith.maximumf %get3A_1, %max3A_2 : vector<1000x1xf32>
    %div3A = arith.constant 1.000000e+00 : f32
    %div3A_4 = vector.broadcast %div3A : f32 to vector<1000x1xf32>
    %div3A_5 = arith.divf %div3A_4, %max3A_3 : vector<1000x1xf32>
    %get3A_6 = arith.constant 0 : index
    %get3A_7 = arith.constant 0 : index
    %get3A_8 = arith.constant 0 : index
    %get3A_9 = vector.load %arg2[%get3A_6, %get3A_7, %get3A_8] : memref<2x1000x128xf32, #tpu.memory_space<vmem>>, vector<1x1000x128xf32>
    %get3A_10 = vector.shape_cast %get3A_9 : vector<1x1000x128xf32> to vector<1000x128xf32>
    %mul3A = vector.broadcast %div3A_5 : vector<1000x1xf32> to vector<1000x128xf32>
    %mul3A_11 = arith.mulf %get3A_10, %mul3A : vector<1000x128xf32>
    %get3A_12 = arith.constant 1 : index
    %get3A_13 = arith.constant 0 : index
    %get3A_14 = arith.constant 0 : index
    %get3A_15 = vector.load %arg2[%get3A_12, %get3A_13, %get3A_14] : memref<2x1000x128xf32, #tpu.memory_space<vmem>>, vector<1x1000x128xf32>
    %get3A_16 = vector.shape_cast %get3A_15 : vector<1x1000x128xf32> to vector<1000x128xf32>
    %mul3A_17 = vector.broadcast %div3A_5 : vector<1000x1xf32> to vector<1000x128xf32>
    %mul3A_18 = arith.mulf %get3A_16, %mul3A_17 : vector<1000x128xf32>
    %get3A_19 = arith.constant 0 : index
    %get3A_20 = arith.constant 0 : index
    %get3A_21 = vector.load %arg4[%get3A_19, %get3A_20] : memref<256x128xf32, #tpu.memory_space<vmem>>, vector<256x128xf32>
    %dot_general3A = arith.constant dense<0.000000e+00> : vector<1000x256xf32>
    %dot_general3A_22 = tpu.matmul %mul3A_11, %get3A_21, %dot_general3A {dimension_numbers = #tpu.dot_dimension_numbers<[1], [1], [0], [0], [0, 0, 1, 0], [], []>, transpose_lhs_hint = false} : vector<1000x128xf32>, vector<256x128xf32>, vector<1000x256xf32> -> vector<1000x256xf32>
    %get3A_23 = arith.constant 0 : index
    %get3A_24 = arith.constant 0 : index
    %get3A_25 = vector.load %arg5[%get3A_23, %get3A_24] : memref<256x128xf32, #tpu.memory_space<vmem>>, vector<256x128xf32>
    %dot_general3A_26 = arith.constant dense<0.000000e+00> : vector<1000x256xf32>
    %dot_general3A_27 = tpu.matmul %mul3A_18, %get3A_25, %dot_general3A_26 {dimension_numbers = #tpu.dot_dimension_numbers<[1], [1], [0], [0], [0, 0, 1, 0], [], []>, transpose_lhs_hint = false} : vector<1000x128xf32>, vector<256x128xf32>, vector<1000x256xf32> -> vector<1000x256xf32>
    %add3A = arith.addf %dot_general3A_22, %dot_general3A_27 : vector<1000x256xf32>
    %get3A_28 = arith.constant 0 : index
    %get3A_29 = arith.constant 0 : index
    %get3A_30 = vector.load %arg1[%get3A_28, %get3A_29] : memref<1000x256xf32, #tpu.memory_space<vmem>>, vector<1000x256xf32>
    %add3A_31 = arith.addf %add3A, %get3A_30 : vector<1000x256xf32>
    %get3A_32 = arith.constant 0 : index
    %get3A_33 = arith.constant 0 : index
    %get3A_34 = vector.load %arg6[%get3A_32, %get3A_33] : memref<1x256xf32, #tpu.memory_space<vmem>>, vector<1x256xf32>
    %add3A_35 = vector.broadcast %get3A_34 : vector<1x256xf32> to vector<1000x256xf32>
    %add3A_36 = arith.addf %add3A_31, %add3A_35 : vector<1000x256xf32>
    %max3A_37 = arith.constant 0.000000e+00 : f32
    %max3A_38 = vector.broadcast %max3A_37 : f32 to vector<1000x256xf32>
    %max3A_39 = arith.maximumf %add3A_36, %max3A_38 : vector<1000x256xf32>
    %reduce_sum3A = arith.constant dense<0.000000e+00> : vector<1000xf32>
    %reduce_sum3A_40 = vector.multi_reduction <add>, %max3A_39, %reduce_sum3A [1] : vector<1000x256xf32> to vector<1000xf32>
    %broadcast_in_dim3A = vector.shape_cast %reduce_sum3A_40 : vector<1000xf32> to vector<1000x1xf32>
    %div3A_41 = arith.constant 2.560000e+02 : f32
    %div3A_42 = vector.broadcast %div3A_41 : f32 to vector<1000x1xf32>
    %div3A_43 = arith.divf %broadcast_in_dim3A, %div3A_42 : vector<1000x1xf32>
    %sub3A = vector.broadcast %div3A_43 : vector<1000x1xf32> to vector<1000x256xf32>
    %sub3A_44 = arith.subf %max3A_39, %sub3A : vector<1000x256xf32>
    %mul3A_45 = arith.mulf %sub3A_44, %sub3A_44 : vector<1000x256xf32>
    %reduce_sum3A_46 = arith.constant dense<0.000000e+00> : vector<1000xf32>
    %reduce_sum3A_47 = vector.multi_reduction <add>, %mul3A_45, %reduce_sum3A_46 [1] : vector<1000x256xf32> to vector<1000xf32>
    %broadcast_in_dim3A_48 = vector.shape_cast %reduce_sum3A_47 : vector<1000xf32> to vector<1000x1xf32>
    %div3A_49 = arith.constant 2.560000e+02 : f32
    %div3A_50 = vector.broadcast %div3A_49 : f32 to vector<1000x1xf32>
    %div3A_51 = arith.divf %broadcast_in_dim3A_48, %div3A_50 : vector<1000x1xf32>
    %add3A_52 = arith.constant 9.99999974E-6 : f32
    %add3A_53 = vector.broadcast %add3A_52 : f32 to vector<1000x1xf32>
    %add3A_54 = arith.addf %div3A_51, %add3A_53 : vector<1000x1xf32>
    %rsqrt3A = math.rsqrt %add3A_54 : vector<1000x1xf32>
    %mul3A_55 = vector.broadcast %rsqrt3A : vector<1000x1xf32> to vector<1000x256xf32>
    %mul3A_56 = arith.mulf %sub3A_44, %mul3A_55 : vector<1000x256xf32>
    %get3A_57 = arith.constant 0 : index
    %get3A_58 = arith.constant 0 : index
    %get3A_59 = vector.load %arg7[%get3A_57, %get3A_58] : memref<1x256xf32, #tpu.memory_space<vmem>>, vector<1x256xf32>
    %mul3A_60 = vector.broadcast %get3A_59 : vector<1x256xf32> to vector<1000x256xf32>
    %mul3A_61 = arith.mulf %mul3A_56, %mul3A_60 : vector<1000x256xf32>
    %get3A_62 = arith.constant 0 : index
    %get3A_63 = arith.constant 0 : index
    %get3A_64 = vector.load %arg8[%get3A_62, %get3A_63] : memref<1x256xf32, #tpu.memory_space<vmem>>, vector<1x256xf32>
    %add3A_65 = vector.broadcast %get3A_64 : vector<1x256xf32> to vector<1000x256xf32>
    %add3A_66 = arith.addf %mul3A_61, %add3A_65 : vector<1000x256xf32>
    %get3A_67 = arith.constant 0 : index
    %get3A_68 = arith.constant 0 : index
    %get3A_69 = vector.load %arg9[%get3A_67, %get3A_68] : memref<128x256xf32, #tpu.memory_space<vmem>>, vector<128x256xf32>
    %dot_general3A_70 = arith.constant dense<0.000000e+00> : vector<1000x128xf32>
    %dot_general3A_71 = tpu.matmul %add3A_66, %get3A_69, %dot_general3A_70 {dimension_numbers = #tpu.dot_dimension_numbers<[1], [1], [0], [0], [0, 0, 1, 0], [], []>, transpose_lhs_hint = false} : vector<1000x256xf32>, vector<128x256xf32>, vector<1000x128xf32> -> vector<1000x128xf32>
    %get3A_72 = arith.constant 0 : index
    %get3A_73 = arith.constant 0 : index
    %get3A_74 = vector.load %arg10[%get3A_72, %get3A_73] : memref<1x128xf32, #tpu.memory_space<vmem>>, vector<1x128xf32>
    %add3A_75 = vector.broadcast %get3A_74 : vector<1x128xf32> to vector<1000x128xf32>
    %add3A_76 = arith.addf %dot_general3A_71, %add3A_75 : vector<1000x128xf32>
    %max3A_77 = arith.constant 0.000000e+00 : f32
    %max3A_78 = vector.broadcast %max3A_77 : f32 to vector<1000x128xf32>
    %max3A_79 = arith.maximumf %add3A_76, %max3A_78 : vector<1000x128xf32>
    %get3A_80 = arith.constant 0 : index
    %get3A_81 = arith.constant 0 : index
    %get3A_82 = vector.load %arg11[%get3A_80, %get3A_81] : memref<64x128xf32, #tpu.memory_space<vmem>>, vector<64x128xf32>
    %dot_general3A_83 = arith.constant dense<0.000000e+00> : vector<1000x64xf32>
    %dot_general3A_84 = tpu.matmul %max3A_79, %get3A_82, %dot_general3A_83 {dimension_numbers = #tpu.dot_dimension_numbers<[1], [1], [0], [0], [0, 0, 1, 0], [], []>, transpose_lhs_hint = false} : vector<1000x128xf32>, vector<64x128xf32>, vector<1000x64xf32> -> vector<1000x64xf32>
    %get3A_85 = arith.constant 0 : index
    %get3A_86 = arith.constant 0 : index
    %get3A_87 = vector.load %arg12[%get3A_85, %get3A_86] : memref<1x64xf32, #tpu.memory_space<vmem>>, vector<1x64xf32>
    %add3A_88 = vector.broadcast %get3A_87 : vector<1x64xf32> to vector<1000x64xf32>
    %add3A_89 = arith.addf %dot_general3A_84, %add3A_88 : vector<1000x64xf32>
    %swap3A = arith.constant 0 : index
    %swap3A_90 = arith.constant 0 : index
    %swap3A_91 = vector.load %arg15[%swap3A, %swap3A_90] : memref<1000x64xf32, #tpu.memory_space<vmem>>, vector<1000x64xf32>
    tpu.vector_store %arg15[%swap3A, %swap3A_90], %add3A_89 {strides = array<i32>} : memref<1000x64xf32, #tpu.memory_space<vmem>>, vector<1000x64xf32>,
    %get3A_92 = arith.constant 0 : index
    %get3A_93 = arith.constant 0 : index
    %get3A_94 = vector.load %arg13[%get3A_92, %get3A_93] : memref<64x256xf32, #tpu.memory_space<vmem>>, vector<64x256xf32>
    %dot_general3A_95 = arith.constant dense<0.000000e+00> : vector<1000x64xf32>
    %dot_general3A_96 = tpu.matmul %add3A_66, %get3A_94, %dot_general3A_95 {dimension_numbers = #tpu.dot_dimension_numbers<[1], [1], [0], [0], [0, 0, 1, 0], [], []>, transpose_lhs_hint = false} : vector<1000x256xf32>, vector<64x256xf32>, vector<1000x64xf32> -> vector<1000x64xf32>
    %get3A_97 = arith.constant 0 : index
    %get3A_98 = arith.constant 0 : index
    %get3A_99 = vector.load %arg14[%get3A_97, %get3A_98] : memref<1x64xf32, #tpu.memory_space<vmem>>, vector<1x64xf32>
    %add3A_100 = vector.broadcast %get3A_99 : vector<1x64xf32> to vector<1000x64xf32>
    %add3A_101 = arith.addf %dot_general3A_96, %add3A_100 : vector<1000x64xf32>
    %max3A_102 = arith.constant 0.000000e+00 : f32
    %max3A_103 = vector.broadcast %max3A_102 : f32 to vector<1000x64xf32>
    %max3A_104 = arith.maximumf %add3A_101, %max3A_103 : vector<1000x64xf32>
    %swap3A_105 = arith.constant 0 : index
    %swap3A_106 = arith.constant 0 : index
    %swap3A_107 = vector.load %arg16[%swap3A_105, %swap3A_106] : memref<1000x64xf32, #tpu.memory_space<vmem>>, vector<1000x64xf32>
    tpu.vector_store %arg16[%swap3A_105, %swap3A_106], %max3A_104 {strides = array<i32>} : memref<1000x64xf32, #tpu.memory_space<vmem>>, vector<1000x64xf32>,
    return
  }
  func.func @transform_0(%arg0: i32) -> (i32, i32) {
    %c0_i32 = arith.constant 0 : i32
    %c0_i32_0 = arith.constant 0 : i32
    return %arg0, %c0_i32 : i32, i32
  }
  func.func @transform_1(%arg0: i32) -> (i32, i32, i32) {
    %c0_i32 = arith.constant 0 : i32
    %c0_i32_0 = arith.constant 0 : i32
    %c0_i32_1 = arith.constant 0 : i32
    return %c0_i32, %arg0, %c0_i32_0 : i32, i32, i32
  }
  func.func @transform_2(%arg0: i32) -> (i32, i32) {
    %c0_i32 = arith.constant 0 : i32
    %c0_i32_0 = arith.constant 0 : i32
    return %arg0, %c0_i32 : i32, i32
  }
  func.func @transform_3(%arg0: i32) -> (i32, i32) {
    %c0_i32 = arith.constant 0 : i32
    %c0_i32_0 = arith.constant 0 : i32
    %c0_i32_1 = arith.constant 0 : i32
    return %c0_i32, %c0_i32_0 : i32, i32
  }
  func.func @transform_4(%arg0: i32) -> (i32, i32) {
    %c0_i32 = arith.constant 0 : i32
    %c0_i32_0 = arith.constant 0 : i32
    %c0_i32_1 = arith.constant 0 : i32
    return %c0_i32, %c0_i32_0 : i32, i32
  }
  func.func @transform_5(%arg0: i32) -> (i32, i32) {
    %c0_i32 = arith.constant 0 : i32
    %c0_i32_0 = arith.constant 0 : i32
    %c0_i32_1 = arith.constant 0 : i32
    return %c0_i32, %c0_i32_0 : i32, i32
  }
  func.func @transform_6(%arg0: i32) -> (i32, i32) {
    %c0_i32 = arith.constant 0 : i32
    %c0_i32_0 = arith.constant 0 : i32
    %c0_i32_1 = arith.constant 0 : i32
    return %c0_i32, %c0_i32_0 : i32, i32
  }
  func.func @transform_7(%arg0: i32) -> (i32, i32) {
    %c0_i32 = arith.constant 0 : i32
    %c0_i32_0 = arith.constant 0 : i32
    %c0_i32_1 = arith.constant 0 : i32
    return %c0_i32, %c0_i32_0 : i32, i32
  }
  func.func @transform_8(%arg0: i32) -> (i32, i32) {
    %c0_i32 = arith.constant 0 : i32
    %c0_i32_0 = arith.constant 0 : i32
    %c0_i32_1 = arith.constant 0 : i32
    return %c0_i32, %c0_i32_0 : i32, i32
  }
  func.func @transform_9(%arg0: i32) -> (i32, i32) {
    %c0_i32 = arith.constant 0 : i32
    %c0_i32_0 = arith.constant 0 : i32
    %c0_i32_1 = arith.constant 0 : i32
    return %c0_i32, %c0_i32_0 : i32, i32
  }
  func.func @transform_10(%arg0: i32) -> (i32, i32) {
    %c0_i32 = arith.constant 0 : i32
    %c0_i32_0 = arith.constant 0 : i32
    %c0_i32_1 = arith.constant 0 : i32
    return %c0_i32, %c0_i32_0 : i32, i32
  }
  func.func @transform_11(%arg0: i32) -> (i32, i32) {
    %c0_i32 = arith.constant 0 : i32
    %c0_i32_0 = arith.constant 0 : i32
    %c0_i32_1 = arith.constant 0 : i32
    return %c0_i32, %c0_i32_0 : i32, i32
  }
  func.func @transform_12(%arg0: i32) -> (i32, i32) {
    %c0_i32 = arith.constant 0 : i32
    %c0_i32_0 = arith.constant 0 : i32
    %c0_i32_1 = arith.constant 0 : i32
    return %c0_i32, %c0_i32_0 : i32, i32
  }
  func.func @transform_13(%arg0: i32) -> (i32, i32) {
    %c0_i32 = arith.constant 0 : i32
    %c0_i32_0 = arith.constant 0 : i32
    %c0_i32_1 = arith.constant 0 : i32
    return %c0_i32, %c0_i32_0 : i32, i32
  }
  func.func @transform_14(%arg0: i32) -> (i32, i32) {
    %c0_i32 = arith.constant 0 : i32
    %c0_i32_0 = arith.constant 0 : i32
    return %arg0, %c0_i32 : i32, i32
  }
  func.func @transform_15(%arg0: i32) -> (i32, i32) {
    %c0_i32 = arith.constant 0 : i32
    %c0_i32_0 = arith.constant 0 : i32
    return %arg0, %c0_i32 : i32, i32
  }
}

module attributes {stable_mosaic.version = 14 : i64} {
  func.func @_finish_body(%arg0: memref<10000x64xf32, #tpu.memory_space<vmem>>, %arg1: memref<10000x64xf32, #tpu.memory_space<vmem>>, %arg2: memref<10000x64xf32, #tpu.memory_space<vmem>>) attributes {dimension_semantics = [], scalar_prefetch = 0 : i64, scratch_operands = 0 : i64, tpu.core_type = #tpu.core_type<tc>} {
    %get3A = arith.constant 0 : index
    %get3A_0 = arith.constant 0 : index
    %get3A_1 = vector.load %arg0[%get3A, %get3A_0] : memref<10000x64xf32, #tpu.memory_space<vmem>>, vector<10000x64xf32>
    %reduce_max3A = arith.constant dense<0xFF800000> : vector<64xf32>
    %reduce_max3A_2 = vector.multi_reduction <maximumf>, %get3A_1, %reduce_max3A [0] : vector<10000x64xf32> to vector<64xf32>
    %broadcast_in_dim3A = vector.shape_cast %reduce_max3A_2 : vector<64xf32> to vector<1x64xf32>
    %sub3A = vector.broadcast %broadcast_in_dim3A : vector<1x64xf32> to vector<10000x64xf32>
    %sub3A_3 = arith.subf %get3A_1, %sub3A : vector<10000x64xf32>
    %exp3A = math.exp %sub3A_3 : vector<10000x64xf32>
    %reduce_sum3A = arith.constant dense<0.000000e+00> : vector<64xf32>
    %reduce_sum3A_4 = vector.multi_reduction <add>, %exp3A, %reduce_sum3A [0] : vector<10000x64xf32> to vector<64xf32>
    %broadcast_in_dim3A_5 = vector.shape_cast %reduce_sum3A_4 : vector<64xf32> to vector<1x64xf32>
    %div3A = vector.broadcast %broadcast_in_dim3A_5 : vector<1x64xf32> to vector<10000x64xf32>
    %div3A_6 = arith.divf %exp3A, %div3A : vector<10000x64xf32>
    %get3A_7 = arith.constant 0 : index
    %get3A_8 = arith.constant 0 : index
    %get3A_9 = vector.load %arg1[%get3A_7, %get3A_8] : memref<10000x64xf32, #tpu.memory_space<vmem>>, vector<10000x64xf32>
    %mul3A = arith.mulf %div3A_6, %get3A_9 : vector<10000x64xf32>
    %mul3A_10 = arith.mulf %mul3A, %mul3A : vector<10000x64xf32>
    %reduce_sum3A_11 = arith.constant dense<0.000000e+00> : vector<10000xf32>
    %reduce_sum3A_12 = vector.multi_reduction <add>, %mul3A_10, %reduce_sum3A_11 [1] : vector<10000x64xf32> to vector<10000xf32>
    %broadcast_in_dim3A_13 = vector.shape_cast %reduce_sum3A_12 : vector<10000xf32> to vector<10000x1xf32>
    %sqrt3A = math.sqrt %broadcast_in_dim3A_13 : vector<10000x1xf32>
    %max3A = arith.constant 9.99999996E-13 : f32
    %max3A_14 = vector.broadcast %max3A : f32 to vector<10000x1xf32>
    %max3A_15 = arith.maximumf %sqrt3A, %max3A_14 : vector<10000x1xf32>
    %div3A_16 = vector.broadcast %max3A_15 : vector<10000x1xf32> to vector<10000x64xf32>
    %div3A_17 = arith.divf %mul3A, %div3A_16 : vector<10000x64xf32>
    %swap3A = arith.constant 0 : index
    %swap3A_18 = arith.constant 0 : index
    %swap3A_19 = vector.load %arg2[%swap3A, %swap3A_18] : memref<10000x64xf32, #tpu.memory_space<vmem>>, vector<10000x64xf32>
    tpu.vector_store %arg2[%swap3A, %swap3A_18], %div3A_17 {strides = array<i32>} : memref<10000x64xf32, #tpu.memory_space<vmem>>, vector<10000x64xf32>,
    return
  }
}

</mosaic_0001>

<sc_bundles>
// kernel: kernel.6.cloned.1.call-start
scs
__scs_entry_jumppad:
0x0: {  	(pc) =	sbr.rel $0x88, $3  }
0x1: {  	(tag) =	ssettag $0x0;
	lr =	simm.s32 $0x1  }
0x2: {  	[smem:$0x3F94] =	sst lr;
	_ =	strace $0xD0000000  }
0x3: {  	_ = 	snop  }
0x4: {  	_ = 	snop  }
0x5: {  	_ = 	snop  }
0x6: {  	_ = 	snop  }
0x7: {  	_ = 	snop  }
__scs_overlays_trampoline_lowered:
0x8: {  	[smem:$0x3FA3] =	sst s0  }
0x9: {  	[smem:$0x3FA4] =	sst s1  }
0xa: {  	[smem:$0x3FA5] =	sst s2  }
0xb: {  	[smem:$0x3FA6] =	sst s3  }
0xc: {  	[smem:$0x3FA7] =	sst s4  }
0xd: {  	[smem:$0x3FA8] =	sst s5  }
0xe: {  	[smem:$0x3FA9] =	sst s6  }
0xf: {  	[smem:$0x3FAA] =	sst s7  }
0x10: {  	[smem:$0x3FAB] =	sst s8  }
0x11: {  	[smem:$0x3FAC] =	sst s9;
	s0 =	simm.s32 @!p0 $0x0  }
0x12: {  	s1 =	sld [smem:$0x3F92];
	s0 =	simm.s32 @p0 $0x1  }
0x13: {  	[smem:$0x3FAD] =	sst s0;
	s0 =	simm.s32 @!p1 $0x0  }
0x14: {  	s2 =	sld [smem:$0x3F91];
	s0 =	simm.s32 @p1 $0x1  }
0x15: {  	[smem:$0x3FAE] =	sst s0;
	s0 =	simm.s32 @!p2 $0x0  }
0x16: {  	s3 =	sld [smem:$0x3FDB];
	s0 =	simm.s32 @p2 $0x1  }
0x17: {  	s4 =	simm.s32 $0x1BF5;
	[smem:$0x3FB0] =	sst s0  }
0x18: {  	s0 =	sld [smem:$0x3F93];
	_ =	swait.ge [sflag:s4], $0x0  }
0x19: {  	s7 =	sld [smem:$0x3F94]  }
0x1a: {  	s8 =	sadd.s32 $0xFFFFE003, lr  }
0x1b: {  	s9 =	sadd.s32 $0xFFFFFEF7, lr;
	s5 =	simm.s32 $0xFFFFFFFF;
	p2 =	slt.u32 s8, $0xFFFFF086  }
0x1c: {  	p1 =	slt.u32 s9, $0xF7A;
	s5 =	simm.s32 @!p2 $0x0  }
0x1d: {  	s5 =	simm.s32 @p1 $0x1;
	p0 =	seq.s32 s7, s2  }
0x1e: {  	s7 =	smul.u32 @!p0 $0xF7A, s2;
	p2 =	seq.s32 @!p0 s5, $0x0  }
0x1f: {  	s9 =	smul.u32 $0xF7A, s1;
	s8 =	simm.s32 @!p0 $0x1BF5;
	p2 =	por !p2, p0  }
0x20: {  	[sflag:s8] =	ssyncset.s32 @!p0 $0xFFFFF086;
	s6 =	sadd.s32 @!p0 s3, s7;
	s7 =	simm.s32 @!p0 $0x108  }
0x21: {  	s3 =	sadd.s32 s3, s9;
	s6 =	sadd.s32 @!p0 $0x88, s6;
	s7 =	simm.s32 @p2 $0x1082  }
0x22: {  	[simem:s7], [sflag:s8] =	dma.local @!p0 [hbm:s6], $0xF7A  }
0x23: {  	s9 =	sor.u32 $0xD0000000, s2;
	s6 =	simm.s32 $0x108;
	_ =	swait.ge @!p0 [sflag:s8], $0x0  }
0x24: {  	s3 =	sadd.s32 $0x88, s3;
	s6 =	simm.s32 @!p1 $0x1082;
	[sflag:s4] =	ssyncset.s32 $0xFFFFF086  }
0x25: {  	[simem:s6], [sflag:s4] =	dma.local [hbm:s3], $0xF7A  }
0x26: {  	[smem:$0x3F94] =	sst s1;
	(tag) =	ssettag s2;
	_ =	strace s9  }
0x27: {  	s1 =	sld [smem:$0x3FA4]  }
0x28: {  	s2 =	sld [smem:$0x3FA5]  }
0x29: {  	s4 =	sld [smem:$0x3FA7]  }
0x2a: {  	p0 =	seq.s32 s5, $0x0;
	s5 =	sld [smem:$0x3FA8]  }
0x2b: {  	s6 =	sld [smem:$0x3FA9]  }
0x2c: {  	s7 =	sld [smem:$0x3FAA]  }
0x2d: {  	s3 =	simm.s32 $0x108;
	s8 =	sld [smem:$0x3FAB]  }
0x2e: {  	s3 =	simm.s32 @!p0 $0x1082;
	s9 =	sld [smem:$0x3FAC]  }
0x2f: {  	lr =	sadd.s32 s0, s3;
	s0 =	sld [smem:$0x3FA3]  }
0x30: {  	s3 =	sld [smem:$0x3FA6]  }
0x31: {  	[smem:$0x3FAF] =	sst s10  }
0x32: {  	s10 =	sld [smem:$0x3FAD];
	_ =	sdelay $0x3  }
0x33: {  	p0 =	seq.s32 s10, $0x1;
	s10 =	sld [smem:$0x3FAF];
	_ =	sdelay $0x3  }
0x34: {  	[smem:$0x3FAF] =	sst s10  }
0x35: {  	s10 =	sld [smem:$0x3FAE];
	_ =	sdelay $0x3  }
0x36: {  	p1 =	seq.s32 s10, $0x1;
	s10 =	sld [smem:$0x3FAF];
	_ =	sdelay $0x3  }
0x37: {  	[smem:$0x3FAF] =	sst s10  }
0x38: {  	s10 =	sld [smem:$0x3FB0]  }
0x39: {  	_ = 	snop;
	(pc) =	sbr.ind lr, $3  }
0x3a: {  	_ = 	snop  }
0x3b: {  	_ = 	snop  }
0x3c: {  	p2 =	seq.s32 s10, $0x1;
	s10 =	sld [smem:$0x3FAF]  }
0x3d: {  	_ =	shalt  }
0x3e: {  	_ =	shalt  }
0x3f: {  	_ =	shalt  }
0x40: {  	_ =	shalt  }
0x41: {  	_ =	shalt  }
0x42: {  	_ =	shalt  }
0x43: {  	_ =	shalt  }
0x44: {  	_ =	shalt  }
0x45: {  	_ =	shalt  }
0x46: {  	_ =	shalt  }
0x47: {  	_ =	shalt  }
0x48: {  	_ =	shalt  }
0x49: {  	_ =	shalt  }
0x4a: {  	_ =	shalt  }
0x4b: {  	_ =	shalt  }
0x4c: {  	_ =	shalt  }
0x4d: {  	_ =	shalt  }
0x4e: {  	_ =	shalt  }
0x4f: {  	_ =	shalt  }
0x50: {  	_ =	shalt  }
0x51: {  	_ =	shalt  }
0x52: {  	_ =	shalt  }
0x53: {  	_ =	shalt  }
0x54: {  	_ =	shalt  }
0x55: {  	_ =	shalt  }
0x56: {  	_ =	shalt  }
0x57: {  	_ =	shalt  }
0x58: {  	_ =	shalt  }
0x59: {  	_ =	shalt  }
0x5a: {  	_ =	shalt  }
0x5b: {  	_ =	shalt  }
0x5c: {  	_ =	shalt  }
0x5d: {  	_ =	shalt  }
0x5e: {  	_ =	shalt  }
0x5f: {  	_ =	shalt  }
0x60: {  	_ =	shalt  }
0x61: {  	_ =	shalt  }
0x62: {  	_ =	shalt  }
0x63: {  	_ =	shalt  }
0x64: {  	_ =	shalt  }
0x65: {  	_ =	shalt  }
0x66: {  	_ =	shalt  }
0x67: {  	_ =	shalt  }
0x68: {  	_ =	shalt  }
0x69: {  	_ =	shalt  }
0x6a: {  	_ =	shalt  }
0x6b: {  	_ =	shalt  }
0x6c: {  	_ =	shalt  }
0x6d: {  	_ =	shalt  }
0x6e: {  	_ =	shalt  }
0x6f: {  	_ =	shalt  }
0x70: {  	_ =	shalt  }
0x71: {  	_ =	shalt  }
0x72: {  	_ =	shalt  }
0x73: {  	_ =	shalt  }
0x74: {  	_ =	shalt  }
0x75: {  	_ =	shalt  }
0x76: {  	_ =	shalt  }
0x77: {  	_ =	shalt  }
0x78: {  	_ =	shalt  }
0x79: {  	_ =	shalt  }
0x7a: {  	_ =	shalt  }
0x7b: {  	_ =	shalt  }
0x7c: {  	_ =	shalt  }
0x7d: {  	_ =	shalt  }
0x7e: {  	_ =	shalt  }
0x7f: {  	_ =	shalt  }
0x80: {  	_ =	shalt  }
0x81: {  	_ =	shalt  }
0x82: {  	_ =	shalt  }
0x83: {  	_ =	shalt  }
0x84: {  	_ =	shalt  }
0x85: {  	_ =	shalt  }
0x86: {  	_ =	shalt  }
0x87: {  	_ =	shalt  }
.Lfunc_end0:
.L_simem_size_0:
called_computation_lowered:
.L_overlay_start_0:
0x88: {  	s2 =	sld [smem:$0x3FD9]  }
0x89: {  	s3 =	sld [smem:$0x3FFE];
	_ =	sdelay $0x1  }
0x8a: {  	s1 =	srdreg.scid  }
0x8b: {  	s0 =	sand.u32 $0x1, s1  }
0x8c: {  	s17 =	sshll.u32 s0, $0xA;
	s2 =	sadd.s32 s3, s2  }
0x8d: {  	s2 =	sadd.s32 s2, s17  }
0x8e: {  	[smem:$0x3FBB] =	sst s2  }
0x8f: {  	_ = 	snop  }
0x90: {  	s2 =	sld [smem:$0x3FD0];
	(tm) =	ssettm $0x1  }
0x91: {  	s18 =	sld [smem:$0x3FFB];
	_ =	sdelay $0x3  }
0x92: {  	_ =	strace s18  }
0x93: {  	s3 =	sld [smem:$0x3FFC];
	_ =	sdelay $0x3  }
0x94: {  	_ =	strace s3  }
0x95: {  	s3 =	sld [smem:$0x3FFD];
	_ =	sdelay $0x3  }
0x96: {  	_ =	strace s3  }
0x97: {  	_ =	strace $0x8FFFFFFF  }
0x98: {  	s19 =	sld [smem:$0x3FDB];
	_ =	sdelay $0x1  }
0x99: {  	s4 =	simm.s32 $_scs_section_size  }
0x9a: {  	s5 =	simm.s32 $_size__tile_overlayer_lowered;
	s6 =	simm.s32 $_tile_overlayer_lowered  }
0x9b: {  	s22 =	simm.s32 $0x1BFF;
	s21 =	sshll.u32 s6, $0x1;
	s3 =	sadd.s32 s4, s19  }
0x9c: {  	s7 =	simm.s32 $0x0;
	s20 =	sshll.u32 s5, $0x1;
	s5 =	sadd.s32 s21, s3  }
0x9d: {  	[timem:s7], [sflag:s22] =	dma.local [hbm:s5], s20  }
0x9e: {  	_ =	swait.ge [sflag:s22], s20  }
0x9f: {  	s4 =	ssub.s32 $0x0, s20;
	[sflag:s22] =	ssyncset.done $0x0  }
0xa0: {  	[sflag:s22] =	ssyncadd.s32 s4;
	_ =	sdelay $0x1  }
0xa1: {  	s23 =	simm.s32 $0x1B8B  }
0xa2: {  	_ =	swait.ge [sflag:s23], $0x1  }
0xa3: {  	[sflag:s23] =	ssyncset.done $0x0  }
0xa4: {  	s25 =	simm.s32 $0x1B8E;
	s24 =	sld [smem:$0x3FFE];
	[sflag:s23] =	ssyncadd.s32 $0xFFFFFFFF  }
0xa5: {  	s26 =	simm.s32 $execute0_lowered;
	[smem:$0x3FD2] =	sst s25  }
0xa6: {  	s5 =	sshll.u32 s26, $0x1;
	_ =	strace $0x80000046;
	[dreg:$0x1] =	wrdreg $0xFFFFFFFF  }
0xa7: {  	s28 =	simm.s32 $_size_execute0_lowered;
	s3 =	sadd.s32 s3, s5;
	[dreg:$0x0] =	wrdreg $0x0  }
0xa8: {  	s5 =	sshll.u32 s28, $0x1;
	[dreg:$0x2] =	wrdreg s3  }
0xa9: {  	[dreg:$0x3] =	wrdreg s5  }
0xaa: {  	[dreg:$0x4] =	wrdreg $0xC0  }
0xab: {  	_ =	task [dreg:s7], $0x5FFFF  }
0xac: {  	[dreg:$0x1] =	wrdreg $0xFFFFFFFF  }
0xad: {  	[dreg:$0x0] =	wrdreg $0x60  }
0xae: {  	[dreg:$0x2] =	wrdreg s24  }
0xaf: {  	[dreg:$0x3] =	wrdreg s2  }
0xb0: {  	[dreg:$0x4] =	wrdreg $0xA5800  }
0xb1: {  	[dreg:$0x5] =	wrdreg $0x1E5800  }
0xb2: {  	[dreg:$0x6] =	wrdreg $0x9  }
0xb3: {  	_ =	task.clear_ibuf [dreg:s7], $0x7FFFF;
	_ =	strace $0x90000046  }
0xb4: {  	s29 =	simm.s32 $0x9;
	_ =	strace $0x80000048  }
0xb5: {  	_ =	swait.ge [sflag:s29], $0x1  }
0xb6: {  	[sflag:s29] =	ssyncadd.s32 $0xFFFFFFFF  }
0xb7: {  	_ =	strace $0x90000048  }
0xb8: {  	_ =	sfence  }
0xb9: {  	s30 =	sld [smem:$0x0];
	_ =	sdelay $0x2  }
0xba: {  	s31 =	sshll.u32 s1, $0xD;
	s1 =	sshrl.u32 s1, $0x2  }
0xbb: {  	s3 =	sand.u32 $0x4000, s31;
	s1 =	sadd.s32 s1, s30  }
0xbc: {  	s0 =	sor.u32 s3, s0;
	s1 =	sshll.u32 s1, $0x11  }
0xbd: {  	s0 =	sor.u32 s1, s0  }
0xbe: {  	s0 =	sadd.s32 $0x8F2B, s0  }
0xbf: {  	[sflag:s0] =	ssyncadd.remote.s32 $0x1  }
0xc0: {  	_ =	sfence.sel $0xFFFF  }
0xc1: {  	[dreg:$0x0] =	wrdreg $0xFFFFFFFF;
	(pc) =	sbr.abs _section_cstart, $3  }
0xc2: {  	[dreg:$0x1] =	wrdreg $0xFFFFFFFF  }
0xc3: {  	_ =	task.clear_ibuf [dreg:s7], $0x2FFFF;
	_ =	strace $0x9FFFFFFF  }
0xc4: {  	(tm) =	ssettm $0x7FFFFFFF  }
0xc5: {  	_ =	shalt  }
tec
execute0_lowered:
.L_overlay_start_1:
0x0: {  	(tag) =	ssettag $0x1  }
0x1: {  	s0 =	rddreg [dreg:$0x0]  }
0x2: {  	s1 =	rddreg [dreg:$0x1]  }
0x3: {  	s3 =	rddreg [dreg:$0x2];
	s13 =	stileid.u32  }
0x4: {  	s4 =	srdreg.scid;
	s2 =	rddreg [dreg:$0x3];
	s5 =	simm.s32 $0x0  }
0x5: {  	s31 =	simm.s32 $0x1;
	s28 =	simm.s32 $0x40;
	s7 =	smul.u32 $0x500, s13  }
0x6: {  	s15 =	simm.s32 $0x4;
	s16 =	sand.u32 $0x1, s4;
	s8 =	smul.u32 $0x14000, s13  }
0x7: {  	[smem:$0x7FF] =	sst s5;
	s6 =	sadd.s32 $0x6E00, s0;
	s17 =	smul.u32 $0x280, s13  }
0x8: {  	s10 =	sadd.s32 $0x55200, s0;
	s18 =	sadd.s32 $0x55000, s0;
	s19 =	smul.u32 $0x2800, s13  }
0x9: {  	s22 =	smul.u32 $0x50000, s13;
	s25 =	sshll.u32 s13, $0x6;
	s13 =	simm.s32 $0x15  }
0xa: {  	s4 =	smul.u32 $0x140000, s16;
	_ =	strace $0x80000047;
	[dreg:$0x8] =	wrdreg s10  }
0xb: {  	[dreg:$0x9] =	wrdreg s18;
	s12 =	ssub.s32 $0x2, s16;
	p0 =	sne.s32 s16, $0x0  }
0xc: {  	p1 =	seq.s32 s16, $0x0;
	s18 =	simm.s32 $0x380;
	[dreg:$0x7] =	wrdreg s16  }
0xd: {  	s9 =	sadd.s32 s7, s0;
	s11 =	sshrl.u32 s17, $0x3;
	s20 =	sshrl.u32 s12, $0x1  }
0xe: {  	s10 =	sshrl.u32 s19, $0x3;
	s26 =	sadd.s32 s7, s1;
	s7 =	simm.s32 $0x500  }
0xf: {  	s19 =	simm.s32 $0x3;
	s4 =	sadd.s32 s8, s4;
	s21 =	sadd.s32 s1, s10  }
0x10: {  	s10 =	sshrl.u32 s22, $0x2;
	s8 =	sadd.s32 s17, s2;
	[dreg:$0x5] =	wrdreg s26  }
0x11: {  	s30 =	sadd.s32 $0x1E00, s9;
	s26 =	simm.s32 $0x280;
	s17 =	simm.s32 $0x2500  }
0x12: {  	s9 =	simm.s32 $0x4500;
	s22 =	simm.s32 $0x5;
	[dreg:$0xa] =	wrdreg s21  }
0x13: {  	s4 =	sshrl.u32 s4, $0x3;
	s14 =	sadd.s32 $0x8, s21;
	[dreg:$0x11] =	wrdreg s8  }
0x14: {  	s23 =	sadd.s32 $0x10, s21;
	s24 =	sadd.s32 $0x18, s21;
	[dreg:$0x6] =	wrdreg s30  }
0x15: {  	s10 =	sadd.s32 s10, s3;
	s8 =	simm.s32 $0x100;
	[dreg:$0xb] =	wrdreg s14  }
0x16: {  	s4 =	sadd.s32 s4, s0;
	s0 =	sadd.s32 s11, s0;
	[dreg:$0xc] =	wrdreg s23  }
0x17: {  	s11 =	ssub.s32 s12, s20;
	[dreg:$0xd] =	wrdreg s24;
	s12 =	sadd.s32 $0x20, s21  }
0x18: {  	[dreg:$0xf] =	wrdreg s10;
	s10 =	sor.u32 $0x1C15, s25;
	s14 =	simm.s32 $0x2  }
0x19: {  	s24 =	simm.s32 $0x400;
	s20 =	simm.s32 $0x6500;
	[dreg:$0xe] =	wrdreg s12  }
0x1a: {  	s21 =	simm.s32 $0x480;
	s4 =	sadd.s32 $0x58000, s4;
	[dreg:$0x10] =	wrdreg s10  }
0x1b: {  	s23 =	simm.s32 $0x0;
	s0 =	sadd.s32 $0x57A00, s0;
	[dreg:$0x12] =	wrdreg s4  }
0x1c: {  	s29 =	smax.u32 s11, $0x1;
	s12 =	simm.s32 $0x180;
	[dreg:$0x13] =	wrdreg s0  }
0x1d: {  	v1 =	vimm.f32 $1.000000000e+00;
	v0 =	vmov s16;
	s11 =	simm.s32 $0x300;
	[dreg:$0x14] =	wrdreg s29;
	s4 =	simm.s32 $0x80  }
.LBB2_1:
0x1e: {  	[dreg:$0x15] =	wrdreg s23  }
0x1f: {  	s0 =	rddreg [dreg:$0xa]  }
0x20: {  	[tilespmem:s5], [sflag:$0x1] =	stream.linear.gather [hbm4b:s0+s5], $0x40, $0x38;
	[tilespmem:$0x1E800] =	vst v63  }
0x21: {  	s25 =	rddreg [dreg:$0xb]  }
0x22: {  	[tilespmem:s4], [sflag:$0x2] =	stream.linear.gather [hbm4b:s25+s5], $0x40, $0x38;
	[tilespmem:$0x1E800] =	vst v63  }
0x23: {  	s1 =	rddreg [dreg:$0xc]  }
0x24: {  	[tilespmem:s8], [sflag:$0x3] =	stream.linear.gather [hbm4b:s1+s5], $0x40, $0x38;
	[tilespmem:$0x1E800] =	vst v63  }
0x25: {  	s23 =	rddreg [dreg:$0xd]  }
0x26: {  	[tilespmem:s12], [sflag:$0x4] =	stream.linear.gather [hbm4b:s23+s5], $0x40, $0x38;
	[tilespmem:$0x1E800] =	vst v63  }
0x27: {  	s25 =	rddreg [dreg:$0xe];
	s1 =	simm.s32 $0x200  }
0x28: {  	[tilespmem:s1], [sflag:$0x5] =	stream.linear.gather [hbm4b:s25+s5], $0x40, $0x38;
	[tilespmem:$0x1E800] =	vst v63  }
0x29: {  	s1 =	rddreg [dreg:$0xf]  }
0x2a: {  	s25 =	rddreg [dreg:$0x8];
	s23 =	sshrl.u32 s1, $0x3  }
0x2b: {  	[dreg:$0x16] =	wrdreg s23  }
0x2c: {  	[spmem:s23], [sflag:s10] =	dma.local [hbm:s25], $0x2800  }
0x2d: {  	_ =	swait.ge [sflag:s13], $0x2800  }
0x2e: {  	s0 =	rddreg [dreg:$0x11]  }
0x2f: {  	[sflag:s13] =	ssyncset.done $0x0;
	s1 =	sshrl.u32 @!p0 s0, $0x3;
	s0 =	rddreg [dreg:$0x9]  }
0x30: {  	[sflag:s13] =	ssyncadd.s32 $0xFFFFD800;
	[dreg:$0x17] =	wrdreg s1  }
0x31: {  	[spmem:s1], [sflag:s10] =	dma.local @!p0 [hbm:s0], $0x50  }
0x32: {  	s0 =	simm.s32 @!p0 $0x15  }
0x33: {  	_ =	swait.ge @!p0 [sflag:s0], $0x50  }
0x34: {  	[sflag:s0] =	ssyncset.done @!p0 $0x0  }
0x35: {  	[sflag:s0] =	ssyncadd.s32 @!p0 $0xFFFFFFB0  }
0x36: {  	[tilespmem:$0xA500] =	vst v1  }
0x37: {  	[tilespmem:$0xA510] =	vst v1  }
0x38: {  	[tilespmem:$0xA520] =	vst v1  }
0x39: {  	p2 =	por $0x1, $0x1;
	[tilespmem:$0xA530] =	vst v1  }
0x3a: {  	s0 =	simm.s32 @!p2 $0x10;
	[bflag:$0x0] =	sbarrier.arrive $0xFFFF  }
0x3b: {  	p3 =	sne.s32 @!p2 s16, $0x0;
	_ =	swait.ge @!p2 [sflag:s0], $0x2000  }
0x3c: {  	p3 =	por p3, p2;
	[sflag:s0] =	ssyncset.done @!p2 $0x0  }
0x3d: {  	[sflag:s0] =	ssyncadd.s32 @!p2 $0xFFFFE000;
	s0 =	simm.s32 @!p3 $0x10  }
0x3e: {  	_ =	swait.ge @!p3 [sflag:s0], $0x40  }
0x3f: {  	s16 =	rddreg [dreg:$0x6];
	[sflag:s0] =	ssyncset.done @!p3 $0x0  }
0x40: {  	[sflag:s0] =	ssyncadd.s32 @!p3 $0xFFFFFFC0;
	s23 =	sadd.s32 $0x0, s16  }
0x41: {  	[tilespmem:s26], [sflag:$0x6] =	stream.linear.gather [hbm4b:s23+s5], $0x40, $0x38;
	[tilespmem:$0x1E800] =	vst v63  }
0x42: {  	_ =	swait.ge [sflag:s31], $0x40  }
0x43: {  	[sflag:s31] =	ssyncset.done $0x0  }
0x44: {  	[sflag:s31] =	ssyncadd.s32 $0xFFFFFFC0  }
0x45: {  	v2 =	vld [tilespmem:$0x0]  }
0x46: {  	v3 =	vld [tilespmem:$0x10]  }
0x47: {  	v4 =	vld [tilespmem:$0x20]  }
0x48: {  	v5 =	vld [tilespmem:$0x30];
	_ =	sdelay $0x1  }
0x49: {  	v2 =	vshll.u32 v2, $0x1  }
0x4a: {  	v3 =	vshll.u32 v3, $0x1;
	v2 =	vor.u32 v0, v2  }
0x4b: {  	[tilespmem:$0x0] =	vst v2;
	v2 =	vor.u32 v0, v3;
	v3 =	vshll.u32 v4, $0x1  }
0x4c: {  	[tilespmem:$0x10] =	vst v2;
	v2 =	vor.u32 v0, v3;
	v3 =	vshll.u32 v5, $0x1  }
0x4d: {  	[tilespmem:$0x20] =	vst v2;
	v2 =	vor.u32 v0, v3  }
0x4e: {  	s1 =	simm.s32 @!p2 $0x11;
	[tilespmem:$0x30] =	vst v2  }
0x4f: {  	[tilespmem:s7], [sflag:$0xB] =	stream.indirect.gather [hbm4b:s6+s28], $0x80, s5, s28, $0xb8;
	[tilespmem:$0x1E800] =	vst v63  }
0x50: {  	_ =	swait.ge @!p2 [sflag:s1], $0x2000  }
0x51: {  	[sflag:s1] =	ssyncset.done @!p2 $0x0  }
0x52: {  	[sflag:s1] =	ssyncadd.s32 @!p2 $0xFFFFE000;
	s1 =	simm.s32 @!p3 $0x11  }
0x53: {  	_ =	swait.ge @!p3 [sflag:s1], $0x40  }
0x54: {  	[sflag:s1] =	ssyncset.done @!p3 $0x0  }
0x55: {  	s25 =	sadd.s32 $0x8, s23;
	[sflag:s1] =	ssyncadd.s32 @!p3 $0xFFFFFFC0  }
0x56: {  	[tilespmem:s11], [sflag:$0x7] =	stream.linear.gather [hbm4b:s25+s5], $0x40, $0x38;
	[tilespmem:$0x1E800] =	vst v63  }
0x57: {  	_ =	swait.ge [sflag:s14], $0x40  }
0x58: {  	[sflag:s14] =	ssyncset.done $0x0  }
0x59: {  	[sflag:s14] =	ssyncadd.s32 $0xFFFFFFC0  }
0x5a: {  	v2 =	vld [tilespmem:$0xB0]  }
0x5b: {  	v3 =	vld [tilespmem:$0x90]  }
0x5c: {  	v56 =	vld [tilespmem:$0xA0]  }
0x5d: {  	v57 =	vld [tilespmem:$0x80];
	_ =	sdelay $0x1  }
0x5e: {  	v2 =	vshll.u32 v2, $0x1  }
0x5f: {  	v3 =	vshll.u32 v3, $0x1;
	v2 =	vor.u32 v0, v2  }
0x60: {  	v4 =	vshll.u32 v56, $0x1;
	v3 =	vor.u32 v0, v3;
	[tilespmem:$0xB0] =	vst v2  }
0x61: {  	v2 =	vshll.u32 v57, $0x1;
	[tilespmem:$0x90] =	vst v3;
	v3 =	vor.u32 v0, v4  }
0x62: {  	v2 =	vor.u32 v0, v2;
	[tilespmem:$0xA0] =	vst v3  }
0x63: {  	s1 =	simm.s32 @!p2 $0x12;
	[tilespmem:$0x80] =	vst v2  }
0x64: {  	[tilespmem:s17], [sflag:$0xC] =	stream.indirect.gather [hbm4b:s6+s28], $0x80, s4, s28, $0xb8;
	[tilespmem:$0x1E800] =	vst v63  }
0x65: {  	_ =	swait.ge @!p2 [sflag:s1], $0x2000  }
0x66: {  	[sflag:s1] =	ssyncset.done @!p2 $0x0  }
0x67: {  	[sflag:s1] =	ssyncadd.s32 @!p2 $0xFFFFE000;
	s1 =	simm.s32 @!p3 $0x12  }
0x68: {  	_ =	swait.ge @!p3 [sflag:s1], $0x40  }
0x69: {  	[sflag:s1] =	ssyncset.done @!p3 $0x0  }
0x6a: {  	s26 =	sadd.s32 $0x10, s23;
	[sflag:s1] =	ssyncadd.s32 @!p3 $0xFFFFFFC0  }
0x6b: {  	[tilespmem:s18], [sflag:$0x8] =	stream.linear.gather [hbm4b:s26+s5], $0x40, $0x38;
	[tilespmem:$0x1E800] =	vst v63  }
0x6c: {  	_ =	swait.ge [sflag:s19], $0x40  }
0x6d: {  	[sflag:s19] =	ssyncset.done $0x0  }
0x6e: {  	[sflag:s19] =	ssyncadd.s32 $0xFFFFFFC0  }
0x6f: {  	v2 =	vld [tilespmem:$0x120]  }
0x70: {  	v3 =	vld [tilespmem:$0x100]  }
0x71: {  	v58 =	vld [tilespmem:$0x130]  }
0x72: {  	v59 =	vld [tilespmem:$0x110];
	_ =	sdelay $0x1  }
0x73: {  	v2 =	vshll.u32 v2, $0x1  }
0x74: {  	v3 =	vshll.u32 v3, $0x1;
	v2 =	vor.u32 v0, v2  }
0x75: {  	v3 =	vor.u32 v0, v3;
	[tilespmem:$0x120] =	vst v2;
	v2 =	vshll.u32 v58, $0x1  }
0x76: {  	[tilespmem:$0x100] =	vst v3;
	v3 =	vshll.u32 v59, $0x1;
	v2 =	vor.u32 v0, v2  }
0x77: {  	v3 =	vor.u32 v0, v3;
	[tilespmem:$0x130] =	vst v2  }
0x78: {  	s1 =	simm.s32 @!p2 $0x13;
	[tilespmem:$0x110] =	vst v3  }
0x79: {  	[tilespmem:s9], [sflag:$0xD] =	stream.indirect.gather [hbm4b:s6+s28], $0x80, s8, s28, $0xb8;
	[tilespmem:$0x1E800] =	vst v63  }
0x7a: {  	_ =	swait.ge @!p2 [sflag:s1], $0x2000  }
0x7b: {  	[sflag:s1] =	ssyncset.done @!p2 $0x0  }
0x7c: {  	[sflag:s1] =	ssyncadd.s32 @!p2 $0xFFFFE000;
	s1 =	simm.s32 @!p3 $0x13  }
0x7d: {  	_ =	swait.ge @!p3 [sflag:s1], $0x40  }
0x7e: {  	[sflag:s1] =	ssyncset.done @!p3 $0x0  }
0x7f: {  	s31 =	sadd.s32 $0x18, s23;
	[sflag:s1] =	ssyncadd.s32 @!p3 $0xFFFFFFC0  }
0x80: {  	[tilespmem:s24], [sflag:$0x9] =	stream.linear.gather [hbm4b:s31+s5], $0x40, $0x38;
	[tilespmem:$0x1E800] =	vst v63  }
0x81: {  	_ =	swait.ge [sflag:s15], $0x40  }
0x82: {  	[sflag:s15] =	ssyncset.done $0x0  }
0x83: {  	[sflag:s15] =	ssyncadd.s32 $0xFFFFFFC0  }
0x84: {  	v2 =	vld [tilespmem:$0x180]  }
0x85: {  	v3 =	vld [tilespmem:$0x190]  }
0x86: {  	v60 =	vld [tilespmem:$0x1A0]  }
0x87: {  	v61 =	vld [tilespmem:$0x1B0];
	_ =	sdelay $0x1  }
0x88: {  	v2 =	vshll.u32 v2, $0x1  }
0x89: {  	v3 =	vshll.u32 v3, $0x1;
	v2 =	vor.u32 v0, v2  }
0x8a: {  	[tilespmem:$0x180] =	vst v2;
	v2 =	vor.u32 v0, v3;
	v3 =	vshll.u32 v60, $0x1  }
0x8b: {  	[tilespmem:$0x190] =	vst v2;
	v2 =	vor.u32 v0, v3;
	v3 =	vshll.u32 v61, $0x1  }
0x8c: {  	[tilespmem:$0x1A0] =	vst v2;
	v2 =	vor.u32 v0, v3  }
0x8d: {  	s1 =	simm.s32 @!p2 $0x14;
	[tilespmem:$0x1B0] =	vst v2  }
0x8e: {  	[tilespmem:s20], [sflag:$0xE] =	stream.indirect.gather [hbm4b:s6+s28], $0x80, s12, s28, $0xb8;
	[tilespmem:$0x1E800] =	vst v63  }
0x8f: {  	_ =	swait.ge @!p2 [sflag:s1], $0x2000  }
0x90: {  	[sflag:s1] =	ssyncset.done @!p2 $0x0  }
0x91: {  	[sflag:s1] =	ssyncadd.s32 @!p2 $0xFFFFE000;
	s1 =	simm.s32 @!p3 $0x14  }
0x92: {  	_ =	swait.ge @!p3 [sflag:s1], $0x40  }
0x93: {  	[sflag:s1] =	ssyncset.done @!p3 $0x0  }
0x94: {  	s0 =	sadd.s32 $0x20, s23;
	[sflag:s1] =	ssyncadd.s32 @!p3 $0xFFFFFFC0  }
0x95: {  	[tilespmem:s21], [sflag:$0xA] =	stream.linear.gather [hbm4b:s0+s5], $0x40, $0x38;
	[tilespmem:$0x1E800] =	vst v63  }
0x96: {  	_ =	swait.ge [sflag:s22], $0x40  }
0x97: {  	[sflag:s22] =	ssyncset.done $0x0  }
0x98: {  	[sflag:s22] =	ssyncadd.s32 $0xFFFFFFC0  }
0x99: {  	v2 =	vld [tilespmem:$0x200]  }
0x9a: {  	v3 =	vld [tilespmem:$0x210]  }
0x9b: {  	v62 =	vld [tilespmem:$0x220]  }
0x9c: {  	v63 =	vld [tilespmem:$0x230];
	_ =	sdelay $0x1  }
0x9d: {  	v2 =	vshll.u32 v2, $0x1  }
0x9e: {  	v3 =	vshll.u32 v3, $0x1;
	v2 =	vor.u32 v0, v2  }
0x9f: {  	[tilespmem:$0x200] =	vst v2;
	v2 =	vor.u32 v0, v3;
	v3 =	vshll.u32 v62, $0x1  }
0xa0: {  	[tilespmem:$0x210] =	vst v2;
	v2 =	vor.u32 v0, v3;
	v3 =	vshll.u32 v63, $0x1  }
0xa1: {  	[tilespmem:$0x220] =	vst v2;
	v2 =	vor.u32 v0, v3  }
0xa2: {  	s30 =	simm.s32 $0x28;
	s29 =	simm.s32 $0x0;
	[tilespmem:$0x230] =	vst v2  }
.LBB2_2:
0xa3: {  	s0 =	simm.s32 $0x200;
	s7 =	simm.s32 $0x8500;
	s4 =	simm.s32 $0xB  }
0xa4: {  	[tilespmem:s7], [sflag:$0xF] =	stream.indirect.gather [hbm4b:s6+s28], $0x80, s0, s28, $0xb8;
	[tilespmem:$0x1E800] =	vst v63  }
0xa5: {  	_ =	swait.ge [sflag:s4], $0x2000  }
0xa6: {  	p3 =	seq.s32 s29, $0x4D8;
	s1 =	rddreg [dreg:$0x5]  }
0xa7: {  	s18 =	simm.s32 $0x6;
	[sflag:s4] =	ssyncset.done $0x0;
	s12 =	sadd.s32 @!p3 s29, s1  }
0xa8: {  	s13 =	simm.s32 @!p3 $0x0;
	[sflag:s4] =	ssyncadd.s32 $0xFFFFE000;
	s0 =	sadd.s32 @!p3 $0x28, s12  }
0xa9: {  	[tilespmem:s13], [sflag:$0x1] =	stream.linear.gather @!p3 [hbm4b:s0+s13], $0x40, $0x38;
	[tilespmem:$0x1E800] =	vst v63  }
0xaa: {  	_ =	swait.ge [sflag:s18], $0x40  }
0xab: {  	s31 =	simm.s32 $0x280;
	[sflag:s18] =	ssyncset.done $0x0  }
0xac: {  	s11 =	simm.s32 $0x500;
	s25 =	simm.s32 @!p0 $0xA500;
	[sflag:s18] =	ssyncadd.s32 $0xFFFFFFC0  }
0xad: {  	[spmem:s3] =	stream.indirect.scatter.add.f32 [tilespmem:s11], [sflag:$0x10], $0x80, s31, s28, $0xb8;
	[tilespmem:$0x1E800] =	vst v63  }
0xae: {  	s19 =	simm.s32 $0xC;
	s4 =	simm.s32 @!p0 $0x40;
	s1 =	simm.s32 @!p0 $0x280  }
0xaf: {  	[spmem:s2] =	stream.indirect.scatter.add.f32 @!p0 [tilespmem:s25], [sflag:$0x10], $0x1, s1, s4, $0xb8;
	[tilespmem:$0x1E800] =	vst v63  }
0xb0: {  	_ =	swait.ge [sflag:s19], $0x2000  }
0xb1: {  	s20 =	simm.s32 $0x7;
	[sflag:s19] =	ssyncset.done $0x0  }
0xb2: {  	s8 =	simm.s32 @!p3 $0x80;
	s0 =	sadd.s32 @!p3 $0x30, s12;
	[sflag:s19] =	ssyncadd.s32 $0xFFFFE000  }
0xb3: {  	[tilespmem:s8], [sflag:$0x2] =	stream.linear.gather @!p3 [hbm4b:s0+s13], $0x40, $0x38;
	[tilespmem:$0x1E800] =	vst v63  }
0xb4: {  	_ =	swait.ge [sflag:s20], $0x40  }
0xb5: {  	[sflag:s20] =	ssyncset.done $0x0  }
0xb6: {  	s14 =	simm.s32 $0x300;
	s18 =	simm.s32 $0x2500;
	[sflag:s20] =	ssyncadd.s32 $0xFFFFFFC0  }
0xb7: {  	[spmem:s3] =	stream.indirect.scatter.add.f32 [tilespmem:s18], [sflag:$0x11], $0x80, s14, s28, $0xb8;
	[tilespmem:$0x1E800] =	vst v63  }
0xb8: {  	s21 =	simm.s32 $0xD;
	s0 =	simm.s32 @!p0 $0x300  }
0xb9: {  	[spmem:s2] =	stream.indirect.scatter.add.f32 @!p0 [tilespmem:s25], [sflag:$0x11], $0x1, s0, s4, $0xb8;
	[tilespmem:$0x1E800] =	vst v63  }
0xba: {  	_ =	swait.ge [sflag:s21], $0x2000  }
0xbb: {  	s22 =	simm.s32 $0x8;
	[sflag:s21] =	ssyncset.done $0x0  }
0xbc: {  	s10 =	simm.s32 @!p3 $0x100;
	s8 =	sadd.s32 @!p3 $0x38, s12;
	[sflag:s21] =	ssyncadd.s32 $0xFFFFE000  }
0xbd: {  	[tilespmem:s10], [sflag:$0x3] =	stream.linear.gather @!p3 [hbm4b:s8+s13], $0x40, $0x38;
	[tilespmem:$0x1E800] =	vst v63  }
0xbe: {  	_ =	swait.ge [sflag:s22], $0x40  }
0xbf: {  	[sflag:s22] =	ssyncset.done $0x0  }
0xc0: {  	s24 =	simm.s32 $0x4500;
	s19 =	simm.s32 $0x380;
	[sflag:s22] =	ssyncadd.s32 $0xFFFFFFC0  }
0xc1: {  	[spmem:s3] =	stream.indirect.scatter.add.f32 [tilespmem:s24], [sflag:$0x12], $0x80, s19, s28, $0xb8;
	[tilespmem:$0x1E800] =	vst v63  }
0xc2: {  	s9 =	simm.s32 $0xE;
	s8 =	simm.s32 @!p0 $0x380  }
0xc3: {  	[spmem:s2] =	stream.indirect.scatter.add.f32 @!p0 [tilespmem:s25], [sflag:$0x12], $0x1, s8, s4, $0xb8;
	[tilespmem:$0x1E800] =	vst v63  }
0xc4: {  	_ =	swait.ge [sflag:s9], $0x2000  }
0xc5: {  	s23 =	simm.s32 $0x9;
	[sflag:s9] =	ssyncset.done $0x0  }
0xc6: {  	s16 =	simm.s32 @!p3 $0x180;
	s10 =	sadd.s32 @!p3 $0x40, s12;
	[sflag:s9] =	ssyncadd.s32 $0xFFFFE000  }
0xc7: {  	[tilespmem:s16], [sflag:$0x4] =	stream.linear.gather @!p3 [hbm4b:s10+s13], $0x40, $0x38;
	[tilespmem:$0x1E800] =	vst v63  }
0xc8: {  	_ =	swait.ge [sflag:s23], $0x40  }
0xc9: {  	[sflag:s23] =	ssyncset.done $0x0  }
0xca: {  	s15 =	simm.s32 $0x400;
	s21 =	simm.s32 $0x6500;
	[sflag:s23] =	ssyncadd.s32 $0xFFFFFFC0  }
0xcb: {  	[spmem:s3] =	stream.indirect.scatter.add.f32 [tilespmem:s21], [sflag:$0x13], $0x80, s15, s28, $0xb8;
	[tilespmem:$0x1E800] =	vst v63  }
0xcc: {  	s26 =	simm.s32 $0xF;
	s10 =	simm.s32 @!p0 $0x400  }
0xcd: {  	[spmem:s2] =	stream.indirect.scatter.add.f32 @!p0 [tilespmem:s25], [sflag:$0x13], $0x1, s10, s4, $0xb8;
	[tilespmem:$0x1E800] =	vst v63  }
0xce: {  	_ =	swait.ge [sflag:s26], $0x2000  }
0xcf: {  	[sflag:s26] =	ssyncset.done $0x0  }
0xd0: {  	s12 =	sadd.s32 @!p3 $0x48, s12;
	s16 =	simm.s32 @!p3 $0x200;
	[sflag:s26] =	ssyncadd.s32 $0xFFFFE000  }
0xd1: {  	[tilespmem:s16], [sflag:$0x5] =	stream.linear.gather @!p3 [hbm4b:s12+s13], $0x40, $0x38;
	[tilespmem:$0x1E800] =	vst v63  }
0xd2: {  	s16 =	simm.s32 $0xA  }
0xd3: {  	s17 =	smov.u32 s30;
	_ =	swait.ge [sflag:s16], $0x40  }
0xd4: {  	s29 =	smov.u32 s17;
	[sflag:s16] =	ssyncset.done $0x0  }
0xd5: {  	s22 =	simm.s32 $0x480;
	p3 =	seq.s32 s29, $0x0;
	[sflag:s16] =	ssyncadd.s32 $0xFFFFFFC0  }
0xd6: {  	[spmem:s3] =	stream.indirect.scatter.add.f32 [tilespmem:s7], [sflag:$0x14], $0x80, s22, s28, $0xb8;
	[tilespmem:$0x1E800] =	vst v63  }
0xd7: {  	s12 =	simm.s32 @!p0 $0x480;
	s13 =	simm.s32 @!p3 $0x10;
	s7 =	rddreg [dreg:$0x7]  }
0xd8: {  	[spmem:s2] =	stream.indirect.scatter.add.f32 @!p0 [tilespmem:s25], [sflag:$0x14], $0x1, s12, s4, $0xb8;
	[tilespmem:$0x1E800] =	vst v63  }
0xd9: {  	p4 =	sne.s32 @!p3 s7, $0x0;
	_ =	swait.ge @!p3 [sflag:s13], $0x2000  }
0xda: {  	p4 =	por p4, p3;
	[sflag:s13] =	ssyncset.done @!p3 $0x0  }
0xdb: {  	[sflag:s13] =	ssyncadd.s32 @!p3 $0xFFFFE000;
	s13 =	simm.s32 @!p4 $0x10  }
0xdc: {  	_ =	swait.ge @!p4 [sflag:s13], $0x40  }
0xdd: {  	[sflag:s13] =	ssyncset.done @!p4 $0x0;
	s17 =	rddreg [dreg:$0x6]  }
0xde: {  	[sflag:s13] =	ssyncadd.s32 @!p4 $0xFFFFFFC0;
	s13 =	sadd.s32 s29, s17  }
0xdf: {  	[tilespmem:s31], [sflag:$0x6] =	stream.linear.gather [hbm4b:s13+s5], $0x40, $0x38;
	[tilespmem:$0x1E800] =	vst v63  }
0xe0: {  	s31 =	simm.s32 $0x1  }
0xe1: {  	_ =	swait.ge [sflag:s31], $0x40  }
0xe2: {  	[sflag:s31] =	ssyncset.done $0x0  }
0xe3: {  	[sflag:s31] =	ssyncadd.s32 $0xFFFFFFC0  }
0xe4: {  	v2 =	vld [tilespmem:$0x0]  }
0xe5: {  	v3 =	vld [tilespmem:$0x10]  }
0xe6: {  	v4 =	vld [tilespmem:$0x20]  }
0xe7: {  	v5 =	vld [tilespmem:$0x30];
	_ =	sdelay $0x1  }
0xe8: {  	v2 =	vshll.u32 v2, $0x1  }
0xe9: {  	v3 =	vshll.u32 v3, $0x1;
	v2 =	vor.u32 v0, v2  }
0xea: {  	[tilespmem:$0x0] =	vst v2;
	v2 =	vor.u32 v0, v3;
	v3 =	vshll.u32 v4, $0x1  }
0xeb: {  	[tilespmem:$0x10] =	vst v2;
	v2 =	vor.u32 v0, v3;
	v3 =	vshll.u32 v5, $0x1  }
0xec: {  	[tilespmem:$0x20] =	vst v2;
	v2 =	vor.u32 v0, v3  }
0xed: {  	s16 =	simm.s32 @!p3 $0x11;
	[tilespmem:$0x30] =	vst v2  }
0xee: {  	[tilespmem:s11], [sflag:$0xB] =	stream.indirect.gather [hbm4b:s6+s28], $0x80, s5, s28, $0xb8;
	[tilespmem:$0x1E800] =	vst v63  }
0xef: {  	_ =	swait.ge @!p3 [sflag:s16], $0x2000  }
0xf0: {  	[sflag:s16] =	ssyncset.done @!p3 $0x0  }
0xf1: {  	[sflag:s16] =	ssyncadd.s32 @!p3 $0xFFFFE000;
	s16 =	simm.s32 @!p4 $0x11  }
0xf2: {  	_ =	swait.ge @!p4 [sflag:s16], $0x40  }
0xf3: {  	[sflag:s16] =	ssyncset.done @!p4 $0x0  }
0xf4: {  	s20 =	sadd.s32 $0x8, s13;
	[sflag:s16] =	ssyncadd.s32 @!p4 $0xFFFFFFC0  }
0xf5: {  	[tilespmem:s14], [sflag:$0x7] =	stream.linear.gather [hbm4b:s20+s5], $0x40, $0x38;
	[tilespmem:$0x1E800] =	vst v63  }
0xf6: {  	s14 =	simm.s32 $0x2  }
0xf7: {  	_ =	swait.ge [sflag:s14], $0x40  }
0xf8: {  	[sflag:s14] =	ssyncset.done $0x0  }
0xf9: {  	[sflag:s14] =	ssyncadd.s32 $0xFFFFFFC0  }
0xfa: {  	v2 =	vld [tilespmem:$0xB0]  }
0xfb: {  	v3 =	vld [tilespmem:$0x90]  }
0xfc: {  	v56 =	vld [tilespmem:$0xA0]  }
0xfd: {  	v57 =	vld [tilespmem:$0x80];
	_ =	sdelay $0x1  }
0xfe: {  	v2 =	vshll.u32 v2, $0x1  }
0xff: {  	v3 =	vshll.u32 v3, $0x1;
	v2 =	vor.u32 v0, v2  }
0x100: {  	v4 =	vshll.u32 v56, $0x1;
	v3 =	vor.u32 v0, v3;
	[tilespmem:$0xB0] =	vst v2  }
0x101: {  	v2 =	vshll.u32 v57, $0x1;
	[tilespmem:$0x90] =	vst v3;
	v3 =	vor.u32 v0, v4  }
0x102: {  	v2 =	vor.u32 v0, v2;
	[tilespmem:$0xA0] =	vst v3  }
0x103: {  	s23 =	simm.s32 $0x80;
	s16 =	simm.s32 @!p3 $0x12;
	[tilespmem:$0x80] =	vst v2  }
0x104: {  	[tilespmem:s18], [sflag:$0xC] =	stream.indirect.gather [hbm4b:s6+s28], $0x80, s23, s28, $0xb8;
	[tilespmem:$0x1E800] =	vst v63  }
0x105: {  	_ =	swait.ge @!p3 [sflag:s16], $0x2000  }
0x106: {  	[sflag:s16] =	ssyncset.done @!p3 $0x0  }
0x107: {  	[sflag:s16] =	ssyncadd.s32 @!p3 $0xFFFFE000;
	s16 =	simm.s32 @!p4 $0x12  }
0x108: {  	_ =	swait.ge @!p4 [sflag:s16], $0x40  }
0x109: {  	[sflag:s16] =	ssyncset.done @!p4 $0x0  }
0x10a: {  	s20 =	sadd.s32 $0x10, s13;
	[sflag:s16] =	ssyncadd.s32 @!p4 $0xFFFFFFC0  }
0x10b: {  	[tilespmem:s19], [sflag:$0x8] =	stream.linear.gather [hbm4b:s20+s5], $0x40, $0x38;
	[tilespmem:$0x1E800] =	vst v63  }
0x10c: {  	s19 =	simm.s32 $0x3  }
0x10d: {  	_ =	swait.ge [sflag:s19], $0x40  }
0x10e: {  	[sflag:s19] =	ssyncset.done $0x0  }
0x10f: {  	[sflag:s19] =	ssyncadd.s32 $0xFFFFFFC0  }
0x110: {  	v2 =	vld [tilespmem:$0x120]  }
0x111: {  	v3 =	vld [tilespmem:$0x100]  }
0x112: {  	v58 =	vld [tilespmem:$0x130]  }
0x113: {  	v59 =	vld [tilespmem:$0x110];
	_ =	sdelay $0x1  }
0x114: {  	v2 =	vshll.u32 v2, $0x1  }
0x115: {  	v3 =	vshll.u32 v3, $0x1;
	v2 =	vor.u32 v0, v2  }
0x116: {  	v3 =	vor.u32 v0, v3;
	[tilespmem:$0x120] =	vst v2;
	v2 =	vshll.u32 v58, $0x1  }
0x117: {  	[tilespmem:$0x100] =	vst v3;
	v3 =	vshll.u32 v59, $0x1;
	v2 =	vor.u32 v0, v2  }
0x118: {  	v3 =	vor.u32 v0, v3;
	[tilespmem:$0x130] =	vst v2  }
0x119: {  	s16 =	simm.s32 @!p3 $0x13;
	s20 =	simm.s32 $0x100;
	[tilespmem:$0x110] =	vst v3  }
0x11a: {  	[tilespmem:s24], [sflag:$0xD] =	stream.indirect.gather [hbm4b:s6+s28], $0x80, s20, s28, $0xb8;
	[tilespmem:$0x1E800] =	vst v63  }
0x11b: {  	_ =	swait.ge @!p3 [sflag:s16], $0x2000  }
0x11c: {  	[sflag:s16] =	ssyncset.done @!p3 $0x0  }
0x11d: {  	[sflag:s16] =	ssyncadd.s32 @!p3 $0xFFFFE000;
	s16 =	simm.s32 @!p4 $0x13  }
0x11e: {  	_ =	swait.ge @!p4 [sflag:s16], $0x40  }
0x11f: {  	[sflag:s16] =	ssyncset.done @!p4 $0x0  }
0x120: {  	s23 =	sadd.s32 $0x18, s13;
	[sflag:s16] =	ssyncadd.s32 @!p4 $0xFFFFFFC0  }
0x121: {  	[tilespmem:s15], [sflag:$0x9] =	stream.linear.gather [hbm4b:s23+s5], $0x40, $0x38;
	[tilespmem:$0x1E800] =	vst v63  }
0x122: {  	s15 =	simm.s32 $0x4  }
0x123: {  	_ =	swait.ge [sflag:s15], $0x40  }
0x124: {  	[sflag:s15] =	ssyncset.done $0x0  }
0x125: {  	[sflag:s15] =	ssyncadd.s32 $0xFFFFFFC0  }
0x126: {  	v2 =	vld [tilespmem:$0x180]  }
0x127: {  	v3 =	vld [tilespmem:$0x190]  }
0x128: {  	v60 =	vld [tilespmem:$0x1A0]  }
0x129: {  	v61 =	vld [tilespmem:$0x1B0];
	_ =	sdelay $0x1  }
0x12a: {  	v2 =	vshll.u32 v2, $0x1  }
0x12b: {  	v3 =	vshll.u32 v3, $0x1;
	v2 =	vor.u32 v0, v2  }
0x12c: {  	[tilespmem:$0x180] =	vst v2;
	v2 =	vor.u32 v0, v3;
	v3 =	vshll.u32 v60, $0x1  }
0x12d: {  	[tilespmem:$0x190] =	vst v2;
	v2 =	vor.u32 v0, v3;
	v3 =	vshll.u32 v61, $0x1  }
0x12e: {  	[tilespmem:$0x1A0] =	vst v2;
	v2 =	vor.u32 v0, v3  }
0x12f: {  	s16 =	simm.s32 @!p3 $0x14;
	s23 =	simm.s32 $0x180;
	[tilespmem:$0x1B0] =	vst v2  }
0x130: {  	[tilespmem:s21], [sflag:$0xE] =	stream.indirect.gather [hbm4b:s6+s28], $0x80, s23, s28, $0xb8;
	[tilespmem:$0x1E800] =	vst v63  }
0x131: {  	_ =	swait.ge @!p3 [sflag:s16], $0x2000  }
0x132: {  	[sflag:s16] =	ssyncset.done @!p3 $0x0  }
0x133: {  	[sflag:s16] =	ssyncadd.s32 @!p3 $0xFFFFE000;
	s16 =	simm.s32 @!p4 $0x14  }
0x134: {  	_ =	swait.ge @!p4 [sflag:s16], $0x40  }
0x135: {  	[sflag:s16] =	ssyncset.done @!p4 $0x0  }
0x136: {  	s13 =	sadd.s32 $0x20, s13;
	[sflag:s16] =	ssyncadd.s32 @!p4 $0xFFFFFFC0  }
0x137: {  	[tilespmem:s22], [sflag:$0xA] =	stream.linear.gather [hbm4b:s13+s5], $0x40, $0x38;
	[tilespmem:$0x1E800] =	vst v63  }
0x138: {  	s22 =	simm.s32 $0x5  }
0x139: {  	_ =	swait.ge [sflag:s22], $0x40  }
0x13a: {  	[sflag:s22] =	ssyncset.done $0x0  }
0x13b: {  	[sflag:s22] =	ssyncadd.s32 $0xFFFFFFC0  }
0x13c: {  	v2 =	vld [tilespmem:$0x200]  }
0x13d: {  	v3 =	vld [tilespmem:$0x210]  }
0x13e: {  	v62 =	vld [tilespmem:$0x220]  }
0x13f: {  	v63 =	vld [tilespmem:$0x230]  }
0x140: {  	s30 =	sadd.s32 $0x28, s30  }
0x141: {  	p2 =	sne.s32 s30, $0x500;
	v2 =	vshll.u32 v2, $0x1  }
.Ltmp0:
0x142: {  	v3 =	vshll.u32 v3, $0x1;
	v2 =	vor.u32 v0, v2;
	(pc) =	sbr.rel @p2 .LBB2_2-.Ltmp0, $4  }
0x143: {  	[tilespmem:$0x200] =	vst v2;
	v2 =	vor.u32 v0, v3;
	v3 =	vshll.u32 v62, $0x1  }
0x144: {  	s9 =	simm.s32 $0x4500;
	s26 =	simm.s32 $0x280;
	s7 =	simm.s32 $0x500;
	[tilespmem:$0x210] =	vst v2;
	v2 =	vor.u32 v0, v3;
	v3 =	vshll.u32 v63, $0x1  }
0x145: {  	s17 =	simm.s32 $0x2500;
	s11 =	simm.s32 $0x300;
	s18 =	simm.s32 $0x380;
	[tilespmem:$0x220] =	vst v2;
	v2 =	vor.u32 v0, v3  }
0x146: {  	s24 =	simm.s32 $0x400;
	s20 =	simm.s32 $0x6500;
	s21 =	simm.s32 $0x480;
	[tilespmem:$0x230] =	vst v2  }
0x147: {  	s13 =	simm.s32 $0x200;
	s30 =	simm.s32 $0x8500;
	s16 =	simm.s32 $0xB  }
0x148: {  	[tilespmem:s30], [sflag:$0xF] =	stream.indirect.gather [hbm4b:s6+s28], $0x80, s13, s28, $0xb8;
	[tilespmem:$0x1E800] =	vst v63  }
0x149: {  	_ =	swait.ge [sflag:s16], $0x2000  }
0x14a: {  	p2 =	seq.s32 s29, $0x4D8;
	s13 =	rddreg [dreg:$0x5]  }
0x14b: {  	s23 =	simm.s32 $0x6;
	[sflag:s16] =	ssyncset.done $0x0;
	s13 =	sadd.s32 @!p2 s29, s13  }
0x14c: {  	[sflag:s16] =	ssyncadd.s32 $0xFFFFE000;
	s29 =	simm.s32 @!p2 $0x0;
	s16 =	sadd.s32 @!p2 $0x28, s13  }
0x14d: {  	[tilespmem:s29], [sflag:$0x1] =	stream.linear.gather @!p2 [hbm4b:s16+s29], $0x40, $0x38;
	[tilespmem:$0x1E800] =	vst v63  }
0x14e: {  	_ =	swait.ge [sflag:s23], $0x40  }
0x14f: {  	[sflag:s23] =	ssyncset.done $0x0  }
0x150: {  	[sflag:s23] =	ssyncadd.s32 $0xFFFFFFC0  }
0x151: {  	[spmem:s3] =	stream.indirect.scatter.add.f32 [tilespmem:s7], [sflag:$0x10], $0x80, s26, s28, $0xb8;
	[tilespmem:$0x1E800] =	vst v63  }
0x152: {  	s16 =	simm.s32 $0xC  }
0x153: {  	[spmem:s2] =	stream.indirect.scatter.add.f32 @!p0 [tilespmem:s25], [sflag:$0x10], $0x1, s1, s4, $0xb8;
	[tilespmem:$0x1E800] =	vst v63  }
0x154: {  	_ =	swait.ge [sflag:s16], $0x2000  }
0x155: {  	s23 =	simm.s32 $0x7;
	[sflag:s16] =	ssyncset.done $0x0  }
0x156: {  	s1 =	sadd.s32 @!p2 $0x30, s13;
	[sflag:s16] =	ssyncadd.s32 $0xFFFFE000;
	s16 =	simm.s32 @!p2 $0x80  }
0x157: {  	[tilespmem:s16], [sflag:$0x2] =	stream.linear.gather @!p2 [hbm4b:s1+s29], $0x40, $0x38;
	[tilespmem:$0x1E800] =	vst v63  }
0x158: {  	_ =	swait.ge [sflag:s23], $0x40  }
0x159: {  	[sflag:s23] =	ssyncset.done $0x0  }
0x15a: {  	[sflag:s23] =	ssyncadd.s32 $0xFFFFFFC0  }
0x15b: {  	[spmem:s3] =	stream.indirect.scatter.add.f32 [tilespmem:s17], [sflag:$0x11], $0x80, s11, s28, $0xb8;
	[tilespmem:$0x1E800] =	vst v63  }
0x15c: {  	s16 =	simm.s32 $0xD  }
0x15d: {  	[spmem:s2] =	stream.indirect.scatter.add.f32 @!p0 [tilespmem:s25], [sflag:$0x11], $0x1, s0, s4, $0xb8;
	[tilespmem:$0x1E800] =	vst v63  }
0x15e: {  	_ =	swait.ge [sflag:s16], $0x2000  }
0x15f: {  	s1 =	simm.s32 @!p2 $0x100;
	[sflag:s16] =	ssyncset.done $0x0  }
0x160: {  	s23 =	simm.s32 $0x8;
	s0 =	sadd.s32 @!p2 $0x38, s13;
	[sflag:s16] =	ssyncadd.s32 $0xFFFFE000  }
0x161: {  	[tilespmem:s1], [sflag:$0x3] =	stream.linear.gather @!p2 [hbm4b:s0+s29], $0x40, $0x38;
	[tilespmem:$0x1E800] =	vst v63  }
0x162: {  	_ =	swait.ge [sflag:s23], $0x40  }
0x163: {  	[sflag:s23] =	ssyncset.done $0x0  }
0x164: {  	[sflag:s23] =	ssyncadd.s32 $0xFFFFFFC0  }
0x165: {  	[spmem:s3] =	stream.indirect.scatter.add.f32 [tilespmem:s9], [sflag:$0x12], $0x80, s18, s28, $0xb8;
	[tilespmem:$0x1E800] =	vst v63  }
0x166: {  	s1 =	simm.s32 $0xE  }
0x167: {  	[spmem:s2] =	stream.indirect.scatter.add.f32 @!p0 [tilespmem:s25], [sflag:$0x12], $0x1, s8, s4, $0xb8;
	[tilespmem:$0x1E800] =	vst v63  }
0x168: {  	_ =	swait.ge [sflag:s1], $0x2000  }
0x169: {  	s0 =	sadd.s32 @!p2 $0x40, s13;
	[sflag:s1] =	ssyncset.done $0x0  }
0x16a: {  	s8 =	simm.s32 $0x9;
	[sflag:s1] =	ssyncadd.s32 $0xFFFFE000;
	s1 =	simm.s32 @!p2 $0x180  }
0x16b: {  	[tilespmem:s1], [sflag:$0x4] =	stream.linear.gather @!p2 [hbm4b:s0+s29], $0x40, $0x38;
	[tilespmem:$0x1E800] =	vst v63  }
0x16c: {  	_ =	swait.ge [sflag:s8], $0x40  }
0x16d: {  	[sflag:s8] =	ssyncset.done $0x0  }
0x16e: {  	[sflag:s8] =	ssyncadd.s32 $0xFFFFFFC0  }
0x16f: {  	[spmem:s3] =	stream.indirect.scatter.add.f32 [tilespmem:s20], [sflag:$0x13], $0x80, s24, s28, $0xb8;
	[tilespmem:$0x1E800] =	vst v63  }
0x170: {  	_ = 	snop  }
0x171: {  	[spmem:s2] =	stream.indirect.scatter.add.f32 @!p0 [tilespmem:s25], [sflag:$0x13], $0x1, s10, s4, $0xb8;
	[tilespmem:$0x1E800] =	vst v63  }
0x172: {  	s10 =	simm.s32 $0xF  }
0x173: {  	_ =	swait.ge [sflag:s10], $0x2000  }
0x174: {  	s16 =	simm.s32 $0xA;
	[sflag:s10] =	ssyncset.done $0x0  }
0x175: {  	s0 =	sadd.s32 @!p2 $0x48, s13;
	s1 =	simm.s32 @!p2 $0x200;
	[sflag:s10] =	ssyncadd.s32 $0xFFFFE000  }
0x176: {  	[tilespmem:s1], [sflag:$0x5] =	stream.linear.gather @!p2 [hbm4b:s0+s29], $0x40, $0x38;
	[tilespmem:$0x1E800] =	vst v63  }
0x177: {  	_ =	swait.ge [sflag:s16], $0x40  }
0x178: {  	[sflag:s16] =	ssyncset.done $0x0  }
0x179: {  	[sflag:s16] =	ssyncadd.s32 $0xFFFFFFC0  }
0x17a: {  	[spmem:s3] =	stream.indirect.scatter.add.f32 [tilespmem:s30], [sflag:$0x14], $0x80, s21, s28, $0xb8;
	[tilespmem:$0x1E800] =	vst v63  }
0x17b: {  	s23 =	simm.s32 $0x10  }
0x17c: {  	[spmem:s2] =	stream.indirect.scatter.add.f32 @!p0 [tilespmem:s25], [sflag:$0x14], $0x1, s12, s4, $0xb8;
	[tilespmem:$0x1E800] =	vst v63  }
0x17d: {  	_ =	swait.ge [sflag:s23], $0x2000  }
0x17e: {  	[sflag:s23] =	ssyncset.done $0x0  }
0x17f: {  	s0 =	simm.s32 @p1 $0x10;
	[sflag:s23] =	ssyncadd.s32 $0xFFFFE000  }
0x180: {  	_ =	swait.ge @p1 [sflag:s0], $0x40  }
0x181: {  	[sflag:s0] =	ssyncset.done @p1 $0x0  }
0x182: {  	[sflag:s0] =	ssyncadd.s32 @p1 $0xFFFFFFC0;
	s0 =	simm.s32 @p1 $0x11  }
0x183: {  	_ =	swait.ge @p1 [sflag:s0], $0x2000  }
0x184: {  	[sflag:s0] =	ssyncset.done @p1 $0x0  }
0x185: {  	[sflag:s0] =	ssyncadd.s32 @p1 $0xFFFFE000  }
0x186: {  	_ =	swait.ge @p1 [sflag:s0], $0x40  }
0x187: {  	[sflag:s0] =	ssyncset.done @p1 $0x0  }
0x188: {  	[sflag:s0] =	ssyncadd.s32 @p1 $0xFFFFFFC0;
	s0 =	simm.s32 @p1 $0x12  }
0x189: {  	_ =	swait.ge @p1 [sflag:s0], $0x2000  }
0x18a: {  	[sflag:s0] =	ssyncset.done @p1 $0x0  }
0x18b: {  	[sflag:s0] =	ssyncadd.s32 @p1 $0xFFFFE000  }
0x18c: {  	_ =	swait.ge @p1 [sflag:s0], $0x40  }
0x18d: {  	[sflag:s0] =	ssyncset.done @p1 $0x0  }
0x18e: {  	[sflag:s0] =	ssyncadd.s32 @p1 $0xFFFFFFC0;
	s0 =	simm.s32 @p1 $0x13  }
0x18f: {  	_ =	swait.ge @p1 [sflag:s0], $0x2000  }
0x190: {  	[sflag:s0] =	ssyncset.done @p1 $0x0  }
0x191: {  	[sflag:s0] =	ssyncadd.s32 @p1 $0xFFFFE000  }
0x192: {  	_ =	swait.ge @p1 [sflag:s0], $0x40  }
0x193: {  	[sflag:s0] =	ssyncset.done @p1 $0x0  }
0x194: {  	[sflag:s0] =	ssyncadd.s32 @p1 $0xFFFFFFC0;
	s0 =	simm.s32 @p1 $0x14  }
0x195: {  	_ =	swait.ge @p1 [sflag:s0], $0x2000  }
0x196: {  	[sflag:s0] =	ssyncset.done @p1 $0x0  }
0x197: {  	[sflag:s0] =	ssyncadd.s32 @p1 $0xFFFFE000  }
0x198: {  	_ =	swait.ge @p1 [sflag:s0], $0x40  }
0x199: {  	[sflag:s0] =	ssyncset.done @p1 $0x0  }
0x19a: {  	[sflag:s0] =	ssyncadd.s32 @p1 $0xFFFFFFC0;
	s0 =	simm.s32 @!p1 $0x11  }
0x19b: {  	_ =	swait.ge @!p1 [sflag:s0], $0x2000  }
0x19c: {  	[sflag:s0] =	ssyncset.done @!p1 $0x0  }
0x19d: {  	[sflag:s0] =	ssyncadd.s32 @!p1 $0xFFFFE000;
	s0 =	simm.s32 @!p1 $0x12  }
0x19e: {  	_ =	swait.ge @!p1 [sflag:s0], $0x2000  }
0x19f: {  	[sflag:s0] =	ssyncset.done @!p1 $0x0  }
0x1a0: {  	[sflag:s0] =	ssyncadd.s32 @!p1 $0xFFFFE000;
	s0 =	simm.s32 @!p1 $0x13  }
0x1a1: {  	_ =	swait.ge @!p1 [sflag:s0], $0x2000  }
0x1a2: {  	[sflag:s0] =	ssyncset.done @!p1 $0x0  }
0x1a3: {  	[sflag:s0] =	ssyncadd.s32 @!p1 $0xFFFFE000;
	s0 =	simm.s32 @!p1 $0x14  }
0x1a4: {  	_ =	swait.ge @!p1 [sflag:s0], $0x2000  }
0x1a5: {  	[sflag:s0] =	ssyncset.done @!p1 $0x0  }
0x1a6: {  	[sflag:s0] =	ssyncadd.s32 @!p1 $0xFFFFE000  }
0x1a7: {  	[bflag:$0x0] =	sbarrier.arrive $0xFFFF  }
0x1a8: {  	s10 =	rddreg [dreg:$0x10]  }
0x1a9: {  	s25 =	rddreg [dreg:$0x12]  }
0x1aa: {  	s13 =	simm.s32 $0x15;
	s29 =	rddreg [dreg:$0x16]  }
0x1ab: {  	[hbm:s25], [sflag:s10] =	dma.local [spmem:s29], $0x2800  }
0x1ac: {  	_ =	swait.ge [sflag:s13], $0x2800  }
0x1ad: {  	[sflag:s13] =	ssyncset.done $0x0;
	s0 =	rddreg [dreg:$0x13]  }
0x1ae: {  	s1 =	rddreg [dreg:$0x17];
	[sflag:s13] =	ssyncadd.s32 $0xFFFFD800  }
0x1af: {  	[hbm:s0], [sflag:s10] =	dma.local @!p0 [spmem:s1], $0x50  }
0x1b0: {  	s0 =	simm.s32 @!p0 $0x15  }
0x1b1: {  	_ =	swait.ge @!p0 [sflag:s0], $0x50  }
0x1b2: {  	s23 =	rddreg [dreg:$0x15]  }
0x1b3: {  	s30 =	rddreg [dreg:$0x14];
	s23 =	sadd.s32 $0x1, s23  }
0x1b4: {  	p2 =	sne.s32 s23, s30  }
.Ltmp1:
0x1b5: {  	_ = 	snop;
	(pc) =	sbr.rel @p2 .LBB2_1-.Ltmp1, $3  }
0x1b6: {  	_ =	sdelay $0x1  }
0x1b7: {  	s8 =	simm.s32 $0x100;
	s4 =	simm.s32 $0x80;
	[sflag:s0] =	ssyncset.done @!p0 $0x0  }
0x1b8: {  	s12 =	simm.s32 $0x180;
	s16 =	rddreg [dreg:$0x7];
	[sflag:s0] =	ssyncadd.s32 @!p0 $0xFFFFFFB0  }
0x1b9: {  	_ =	sfence.sel $0x180000  }
0x1ba: {  	[bflag:$0x0] =	sbarrier.arrive $0xFFFF  }
0x1bb: {  	_ =	strace $0x90000047  }
0x1bc: {  	s0 =	stileid.u32;
	[bflag:$0x2] =	sbarrier.arrive $0xFFFF  }
0x1bd: {  	p0 =	sne.s32 s0, $0x0;
	s0 =	rddreg [dreg:$0x4]  }
0x1be: {  	s0 =	sadd.s32 @!p0 $0x100000, s0  }
0x1bf: {  	[sflag:s0] =	ssyncadd.tile.s32 @!p0 $0x1;
	_ =	shalt  }
.Lfunc_end2:
_tile_overlayer_lowered:
.L_overlay_start_2:
0x1c0: {  	(tag) =	ssettag $0x2  }
0x1c1: {  	s0 =	rddreg [dreg:$0x0];
	s2 =	stileid.u32  }
0x1c2: {  	s1 =	rddreg [dreg:$0x1];
	p0 =	sne.s32 s2, $0x0  }
0x1c3: {  	s3 =	rddreg [dreg:$0x2];
	[bflag:$0x3] =	sbarrier.arrive $0xFFFF;
	s2 =	simm.s32 @!p0 $0x1C15  }
0x1c4: {  	[timem:s3], [sflag:s2] =	dma.local @!p0 [hbm:s0], s1  }
0x1c5: {  	s0 =	simm.s32 @!p0 $0x15  }
0x1c6: {  	_ =	swait.ge @!p0 [sflag:s0], s1  }
0x1c7: {  	s1 =	ssub.s32 @!p0 $0x0, s1;
	[sflag:s0] =	ssyncset.done @!p0 $0x0  }
0x1c8: {  	[sflag:s0] =	ssyncadd.s32 @!p0 s1  }
0x1c9: {  	[bflag:$0x3] =	sbarrier.arrive $0xFFFF  }
0x1ca: {  	_ =	shalt  }

</sc_bundles>
